<compile_context>
chip_gen: v7x
topology: tpu7x:2x2x1
jax: 0.10.2.dev20260603
libtpu: 0.0.44.dev20260713+nightly
codegen_flags: <defaults>
</compile_context>

<pallas_src>
import math

import jax
import jax.numpy as jnp
from jax import lax
from jax.experimental import pallas as pl
from jax.experimental.pallas import tpu as pltpu
from jax.experimental.pallas import tpu_sc as plsc

VOCAB_SIZE = 1000000
D_MODEL = 64
BATCH = 16384
HIST = 50
SCALE = math.sqrt(D_MODEL)

_NC = 2
_NS = 16
_NW = _NC * _NS
_BT = BATCH // _NW
_CH = 128
_NSUB = _BT // _CH
_NSTEP = HIST * _NSUB
_BTP = _BT + 8


def _emb_body(table_hbm, xt_hbm, out_hbm,
              idx_v, gbuf0, gbuf1, tbuf,
              gsem0, gsem1, osem):
    wid = lax.axis_index("s") * _NC + lax.axis_index("c")
    b0 = wid * _BT

    pltpu.sync_copy(xt_hbm.at[:, pl.ds(b0, _BT)], idx_v)

    gbufs = (gbuf0, gbuf1)
    gsems = (gsem0, gsem1)

    lane = lax.iota(jnp.int32, 16)
    rowidx = [lane + (q * 16) for q in range(D_MODEL // 16)]

    def issue_gather(h, hp):
        pltpu.async_copy(table_hbm.at[idx_v.at[h]], gbufs[hp], gsems[hp])

    def wait_gather(hp):
        pltpu.make_async_copy(table_hbm.at[pl.ds(0, _BT)], gbufs[hp],
                              gsems[hp]).wait()

    def wait_write():
        pltpu.make_async_copy(
            out_hbm.at[pl.ds(0, D_MODEL), pl.ds(0, _BT)],
            tbuf.at[:, pl.ds(0, _BT)], osem).wait()

    issue_gather(0, 0)

    def hpair(hh, carry):
        for hp in range(2):
            h = 2 * hh + hp
            gbuf = gbufs[hp]
            wait_gather(hp)

            @pl.when(h < HIST - 1)
            def _():
                issue_gather(h + 1, 1 - hp)

            @pl.when(h >= 1)
            def _():
                wait_write()

            @plsc.parallel_loop(0, _BT, step=1, unroll=8,
                                carry=jnp.zeros((16,), jnp.int32))
            def _row(r, colv):
                for q in range(D_MODEL // 16):
                    v = gbuf[r, pl.ds(q * 16, 16)] * SCALE
                    plsc.store_scatter(tbuf, [rowidx[q], colv], v)
                return colv + 1

            pltpu.async_copy(
                tbuf.at[:, pl.ds(0, _BT)],
                out_hbm.at[pl.ds(h * D_MODEL, D_MODEL), pl.ds(b0, _BT)],
                osem)
        return carry

    lax.fori_loop(0, HIST // 2, hpair, 0)
    wait_write()


def _make_kernel():
    mesh = plsc.VectorSubcoreMesh(core_axis_name="c", subcore_axis_name="s")
    return pl.kernel(
        _emb_body,
        mesh=mesh,
        out_type=jax.ShapeDtypeStruct((HIST * D_MODEL, BATCH), jnp.float32),
        scratch_types=(
            [pltpu.VMEM((HIST, _BT), jnp.int32)]
            + [pltpu.VMEM((_BT, D_MODEL), jnp.float32) for _ in range(2)]
            + [pltpu.VMEM((D_MODEL, _BTP), jnp.float32)]
            + [pltpu.SemaphoreType.DMA for _ in range(3)]
        ),
        compiler_params=pltpu.CompilerParams(
            use_tc_tiling_on_sc=False, needs_layout_passes=False),
    )


_emb_kernel = _make_kernel()


def kernel(x, embed_table):
    xt = jnp.transpose(x.astype(jnp.int32))
    tpacked = lax.optimization_barrier(jnp.reshape(embed_table, (VOCAB_SIZE // 2, 2 * D_MODEL)))
    tlin = jnp.reshape(tpacked, (VOCAB_SIZE, D_MODEL))
    out = _emb_kernel(tlin, xt)
    return out.reshape(HIST, D_MODEL, BATCH).transpose(2, 0, 1)

# --- scband reference (transcript-rebuilt; emitter-appended) ---
"""Pipeline reference for scband-embedding-layer-84482006713129 (READ-ONLY COPY).

The authoritative reference and input builder live on the scoring server;
editing this copy changes nothing except your own understanding.
"""

import jax, jax.numpy as jnp
import numpy as np
import math

VOCAB_SIZE = 1000000
D_MODEL = 64
BATCH = 16384
HIST = 50

def setup_inputs(seed: int = 0) -> dict:
    key = jax.random.key(seed)
    k1, k2 = jax.random.split(key)
    x = jax.random.randint(k1, (BATCH, HIST), 0, VOCAB_SIZE, dtype=jnp.int64 if jax.config.jax_enable_x64 else jnp.int32)
    embed_table = jax.random.normal(k2, (VOCAB_SIZE, D_MODEL), dtype=jnp.float32)
    return {"x": x, "embed_table": embed_table}

def reference(x, embed_table):
    # EmbeddingLayer.forward: self.embed(x) * math.sqrt(d_model)
    out = jnp.take(embed_table, x, axis=0)
    return out * math.sqrt(D_MODEL)

if __name__ == "__main__":
    import jax
    _d = setup_inputs()
    print(jax.jit(kernel)(*tuple(_d.values())))

</pallas_src>

<mosaic_0001>
#map = affine_map<(d0, d1) -> (0, 0)>
module attributes {stable_mosaic.version = 14 : i64} {
  func.func @_emb_body(%arg0: i32, %arg1: i32, %arg2: memref<1000000x64xf32, #tpu.memory_space<hbm>>, %arg3: memref<50x16384xi32, #tpu.memory_space<hbm>>, %arg4: memref<3200x16384xf32, #tpu.memory_space<hbm>>, %arg5: memref<50x512xi32, #tpu.memory_space<vmem>>, %arg6: memref<512x64xf32, #tpu.memory_space<vmem>>, %arg7: memref<512x64xf32, #tpu.memory_space<vmem>>, %arg8: memref<64x520xf32, #tpu.memory_space<vmem>>, %arg9: memref<!tpu.dma_semaphore, #tpu.memory_space<semaphore_mem>>, %arg10: memref<!tpu.dma_semaphore, #tpu.memory_space<semaphore_mem>>, %arg11: memref<!tpu.dma_semaphore, #tpu.memory_space<semaphore_mem>>) attributes {dimension_semantics = [#tpu.dimension_semantics<core_parallel>, #tpu.dimension_semantics<subcore_parallel>], iteration_bounds = array<i64: 2, 16>, scalar_prefetch = 0 : i64, scratch_operands = 7 : i64, tpu.core_type = #tpu.core_type<sc_vector_subcore>, window_params = [{transform_indices = #map}, {transform_indices = #map}, {transform_indices = #map}]} {
    %mul3A = arith.constant 2 : i32
    %mul3A_0 = arith.muli %arg1, %mul3A : i32
    %add3A = arith.addi %mul3A_0, %arg0 : i32
    %mul3A_1 = arith.constant 512 : i32
    %mul3A_2 = arith.muli %add3A, %mul3A_1 : i32
    "tpu.region"() ({
      %run_scoped3A = tpu.sem_alloc : memref<!tpu.dma_semaphore, #tpu.memory_space<semaphore_mem>>
      %dma_start3A_37 = arith.constant 0 : i32
      %dma_start3A_38 = tpu.memref_slice %arg3[%dma_start3A_37, %mul3A_2] : memref<50x16384xi32, #tpu.memory_space<hbm>> -> memref<50x512xi32, #tpu.memory_space<hbm>>
      %dma_start3A_39 = arith.constant 0 : i32
      %dma_start3A_40 = tpu.memref_slice %arg3[%dma_start3A_39, %mul3A_2] : memref<50x16384xi32, #tpu.memory_space<hbm>> -> memref<50x512xi32, #tpu.memory_space<hbm>>
      tpu.enqueue_dma source(%dma_start3A_40 : memref<50x512xi32, #tpu.memory_space<hbm>>) target(%arg5 : memref<50x512xi32, #tpu.memory_space<vmem>>) target_semaphore(%run_scoped3A : memref<!tpu.dma_semaphore, #tpu.memory_space<semaphore_mem>>)
      %dma_wait3A_41 = arith.constant 0 : i32
      %dma_wait3A_42 = tpu.memref_slice %arg3[%dma_wait3A_41, %mul3A_2] : memref<50x16384xi32, #tpu.memory_space<hbm>> -> memref<50x512xi32, #tpu.memory_space<hbm>>
      %dma_wait3A_43 = arith.constant 0 : i32
      %dma_wait3A_44 = tpu.memref_slice %arg3[%dma_wait3A_43, %mul3A_2] : memref<50x16384xi32, #tpu.memory_space<hbm>> -> memref<50x512xi32, #tpu.memory_space<hbm>>
      tpu.wait_dma2 semaphore(%run_scoped3A : memref<!tpu.dma_semaphore, #tpu.memory_space<semaphore_mem>>) src(%dma_wait3A_44 : memref<50x512xi32, #tpu.memory_space<hbm>>) dst(%arg5 : memref<50x512xi32, #tpu.memory_space<vmem>>)
      tpu.yield
    }) : () -> ()
    %iota3A = tpu.iota {dimensions = array<i32: 0>} : vector<16xi32>
    %add3A_3 = arith.constant 0 : i32
    %add3A_4 = vector.broadcast %add3A_3 : i32 to vector<16xi32>
    %add3A_5 = arith.addi %iota3A, %add3A_4 : vector<16xi32>
    %add3A_6 = arith.constant 16 : i32
    %add3A_7 = vector.broadcast %add3A_6 : i32 to vector<16xi32>
    %add3A_8 = arith.addi %iota3A, %add3A_7 : vector<16xi32>
    %add3A_9 = arith.constant 32 : i32
    %add3A_10 = vector.broadcast %add3A_9 : i32 to vector<16xi32>
    %add3A_11 = arith.addi %iota3A, %add3A_10 : vector<16xi32>
    %add3A_12 = arith.constant 48 : i32
    %add3A_13 = vector.broadcast %add3A_12 : i32 to vector<16xi32>
    %add3A_14 = arith.addi %iota3A, %add3A_13 : vector<16xi32>
    %dma_start3A = arith.constant 0 : i32
    %dma_start3A_15 = arith.constant 0 : i32
    %dma_start3A_16 = tpu.memref_slice %arg5[%dma_start3A, %dma_start3A_15] : memref<50x512xi32, #tpu.memory_space<vmem>> -> memref<1x512xi32, #tpu.memory_space<vmem>>
    %dma_start3A_17 = tpu.memref_squeeze %dma_start3A_16 : memref<1x512xi32, #tpu.memory_space<vmem>> -> memref<512xi32, #tpu.memory_space<vmem>>
    %dma_start3A_18 = arith.constant 0 : i32
    %dma_start3A_19 = arith.constant 0 : i32
    %dma_start3A_20 = tpu.memref_slice %arg2[%dma_start3A_18, %dma_start3A_19] : memref<1000000x64xf32, #tpu.memory_space<hbm>> -> memref<1000000x64xf32, #tpu.memory_space<hbm>>
    tpu.enqueue_indirect_dma source(%dma_start3A_20 : memref<1000000x64xf32, #tpu.memory_space<hbm>>) target(%arg6 : memref<512x64xf32, #tpu.memory_space<vmem>>) offsets(%dma_start3A_17 : memref<512xi32, #tpu.memory_space<vmem>>) semaphore(%arg9 : memref<!tpu.dma_semaphore, #tpu.memory_space<semaphore_mem>>)
    %scan3A = arith.constant 0 : i32
    %scan3A_21 = arith.constant 0 : i32
    %scan3A_22 = arith.constant 25 : i32
    %scan3A_23 = arith.addi %scan3A_21, %scan3A_22 : i32
    %scan3A_24 = arith.constant 1 : i32
    scf.for %scan3A_37 = %scan3A_21 to %scan3A_23 step %scan3A_24  : i32 {
      %mul3A_38 = arith.constant 2 : i32
      %mul3A_39 = arith.muli %mul3A_38, %scan3A_37 : i32
      %add3A_40 = arith.constant 0 : i32
      %add3A_41 = arith.addi %mul3A_39, %add3A_40 : i32
      %dma_wait3A_42 = arith.constant 0 : i32
      %dma_wait3A_43 = arith.constant 0 : i32
      %dma_wait3A_44 = tpu.memref_slice %arg2[%dma_wait3A_42, %dma_wait3A_43] : memref<1000000x64xf32, #tpu.memory_space<hbm>> -> memref<512x64xf32, #tpu.memory_space<hbm>>
      %dma_wait3A_45 = arith.constant 0 : i32
      %dma_wait3A_46 = arith.constant 0 : i32
      %dma_wait3A_47 = tpu.memref_slice %arg2[%dma_wait3A_45, %dma_wait3A_46] : memref<1000000x64xf32, #tpu.memory_space<hbm>> -> memref<512x64xf32, #tpu.memory_space<hbm>>
      tpu.wait_dma2 semaphore(%arg9 : memref<!tpu.dma_semaphore, #tpu.memory_space<semaphore_mem>>) src(%dma_wait3A_47 : memref<512x64xf32, #tpu.memory_space<hbm>>) dst(%arg6 : memref<512x64xf32, #tpu.memory_space<vmem>>)
      %lt3A = arith.constant 49 : i32
      %lt3A_48 = arith.cmpi slt, %add3A_41, %lt3A : i32
      %convert_element_type3A = arith.extui %lt3A_48 : i1 to i32
      %cond3A = arith.constant 0 : i32
      %cond3A_49 = arith.cmpi ne, %convert_element_type3A, %cond3A : i32
      scf.if %cond3A_49 {
        %add3A_104 = arith.constant 1 : i32
        %add3A_105 = arith.addi %add3A_41, %add3A_104 : i32
        %dma_start3A_106 = arith.constant 0 : i32
        %dma_start3A_107 = tpu.memref_slice %arg5[%add3A_105, %dma_start3A_106] : memref<50x512xi32, #tpu.memory_space<vmem>> -> memref<1x512xi32, #tpu.memory_space<vmem>>
        %dma_start3A_108 = tpu.memref_squeeze %dma_start3A_107 : memref<1x512xi32, #tpu.memory_space<vmem>> -> memref<512xi32, #tpu.memory_space<vmem>>
        %dma_start3A_109 = arith.constant 0 : i32
        %dma_start3A_110 = arith.constant 0 : i32
        %dma_start3A_111 = tpu.memref_slice %arg2[%dma_start3A_109, %dma_start3A_110] : memref<1000000x64xf32, #tpu.memory_space<hbm>> -> memref<1000000x64xf32, #tpu.memory_space<hbm>>
        tpu.enqueue_indirect_dma source(%dma_start3A_111 : memref<1000000x64xf32, #tpu.memory_space<hbm>>) target(%arg7 : memref<512x64xf32, #tpu.memory_space<vmem>>) offsets(%dma_start3A_108 : memref<512xi32, #tpu.memory_space<vmem>>) semaphore(%arg10 : memref<!tpu.dma_semaphore, #tpu.memory_space<semaphore_mem>>)
      } else {
      }
      %ge3A = arith.constant 1 : i32
      %ge3A_50 = arith.cmpi sge, %add3A_41, %ge3A : i32
      %convert_element_type3A_51 = arith.extui %ge3A_50 : i1 to i32
      %cond3A_52 = arith.constant 0 : i32
      %cond3A_53 = arith.cmpi ne, %convert_element_type3A_51, %cond3A_52 : i32
      scf.if %cond3A_53 {
        %dma_wait3A_104 = arith.constant 0 : i32
        %dma_wait3A_105 = arith.constant 0 : i32
        %dma_wait3A_106 = tpu.memref_slice %arg8[%dma_wait3A_104, %dma_wait3A_105] : memref<64x520xf32, #tpu.memory_space<vmem>> -> memref<64x512xf32, #tpu.memory_space<vmem>>
        %dma_wait3A_107 = arith.constant 0 : i32
        %dma_wait3A_108 = arith.constant 0 : i32
        %dma_wait3A_109 = tpu.memref_slice %arg4[%dma_wait3A_107, %dma_wait3A_108] : memref<3200x16384xf32, #tpu.memory_space<hbm>> -> memref<64x512xf32, #tpu.memory_space<hbm>>
        %dma_wait3A_110 = arith.constant 0 : i32
        %dma_wait3A_111 = arith.constant 0 : i32
        %dma_wait3A_112 = tpu.memref_slice %arg8[%dma_wait3A_110, %dma_wait3A_111] : memref<64x520xf32, #tpu.memory_space<vmem>> -> memref<64x512xf32, #tpu.memory_space<vmem>>
        %dma_wait3A_113 = arith.constant 0 : i32
        %dma_wait3A_114 = arith.constant 0 : i32
        %dma_wait3A_115 = tpu.memref_slice %arg4[%dma_wait3A_113, %dma_wait3A_114] : memref<3200x16384xf32, #tpu.memory_space<hbm>> -> memref<64x512xf32, #tpu.memory_space<hbm>>
        tpu.wait_dma2 semaphore(%arg11 : memref<!tpu.dma_semaphore, #tpu.memory_space<semaphore_mem>>) src(%dma_wait3A_115 : memref<64x512xf32, #tpu.memory_space<hbm>>) dst(%dma_wait3A_112 : memref<64x512xf32, #tpu.memory_space<vmem>>)
      } else {
      }
      %broadcast_in_dim3A = arith.constant 0 : i32
      %broadcast_in_dim3A_54 = vector.broadcast %broadcast_in_dim3A : i32 to vector<16xi32>
      %parallel_loop3A = arith.constant 0 : i32
      %parallel_loop3A_55 = arith.constant 512 : i32
      %parallel_loop3A_56 = arith.constant 1 : i32
      %parallel_loop3A_57 = scf.for %parallel_loop3A_104 = %parallel_loop3A to %parallel_loop3A_55 step %parallel_loop3A_56 iter_args(%parallel_loop3A_105 = %broadcast_in_dim3A_54) -> (vector<16xi32>)  : i32 {
        %parallel_loop3A_106 = arith.index_cast %parallel_loop3A_104 : i32 to index
        %parallel_loop3A_107 = arith.constant 0 : index
        %parallel_loop3A_108 = tpu.vector_load %arg6[%parallel_loop3A_106, %parallel_loop3A_107] {strides = array<i32>} : memref<512x64xf32, #tpu.memory_space<vmem>>, vector<16xf32>,
        %parallel_loop3A_109 = arith.constant 8.000000e+00 : f32
        %parallel_loop3A_110 = vector.broadcast %parallel_loop3A_109 : f32 to vector<16xf32>
        %parallel_loop3A_111 = arith.mulf %parallel_loop3A_108, %parallel_loop3A_110 : vector<16xf32>
        tpu.vector_store_idx %arg8[%add3A_5, %parallel_loop3A_105], %parallel_loop3A_111 : memref<64x520xf32, #tpu.memory_space<vmem>>[vector<16xi32>, vector<16xi32>], vector<16xf32>,
        %parallel_loop3A_112 = arith.index_cast %parallel_loop3A_104 : i32 to index
        %parallel_loop3A_113 = arith.constant 16 : index
        %parallel_loop3A_114 = tpu.vector_load %arg6[%parallel_loop3A_112, %parallel_loop3A_113] {strides = array<i32>} : memref<512x64xf32, #tpu.memory_space<vmem>>, vector<16xf32>,
        %parallel_loop3A_115 = arith.constant 8.000000e+00 : f32
        %parallel_loop3A_116 = vector.broadcast %parallel_loop3A_115 : f32 to vector<16xf32>
        %parallel_loop3A_117 = arith.mulf %parallel_loop3A_114, %parallel_loop3A_116 : vector<16xf32>
        tpu.vector_store_idx %arg8[%add3A_8, %parallel_loop3A_105], %parallel_loop3A_117 : memref<64x520xf32, #tpu.memory_space<vmem>>[vector<16xi32>, vector<16xi32>], vector<16xf32>,
        %parallel_loop3A_118 = arith.index_cast %parallel_loop3A_104 : i32 to index
        %parallel_loop3A_119 = arith.constant 32 : index
        %parallel_loop3A_120 = tpu.vector_load %arg6[%parallel_loop3A_118, %parallel_loop3A_119] {strides = array<i32>} : memref<512x64xf32, #tpu.memory_space<vmem>>, vector<16xf32>,
        %parallel_loop3A_121 = arith.constant 8.000000e+00 : f32
        %parallel_loop3A_122 = vector.broadcast %parallel_loop3A_121 : f32 to vector<16xf32>
        %parallel_loop3A_123 = arith.mulf %parallel_loop3A_120, %parallel_loop3A_122 : vector<16xf32>
        tpu.vector_store_idx %arg8[%add3A_11, %parallel_loop3A_105], %parallel_loop3A_123 : memref<64x520xf32, #tpu.memory_space<vmem>>[vector<16xi32>, vector<16xi32>], vector<16xf32>,
        %parallel_loop3A_124 = arith.index_cast %parallel_loop3A_104 : i32 to index
        %parallel_loop3A_125 = arith.constant 48 : index
        %parallel_loop3A_126 = tpu.vector_load %arg6[%parallel_loop3A_124, %parallel_loop3A_125] {strides = array<i32>} : memref<512x64xf32, #tpu.memory_space<vmem>>, vector<16xf32>,
        %parallel_loop3A_127 = arith.constant 8.000000e+00 : f32
        %parallel_loop3A_128 = vector.broadcast %parallel_loop3A_127 : f32 to vector<16xf32>
        %parallel_loop3A_129 = arith.mulf %parallel_loop3A_126, %parallel_loop3A_128 : vector<16xf32>
        tpu.vector_store_idx %arg8[%add3A_14, %parallel_loop3A_105], %parallel_loop3A_129 : memref<64x520xf32, #tpu.memory_space<vmem>>[vector<16xi32>, vector<16xi32>], vector<16xf32>,
        %parallel_loop3A_130 = arith.constant 1 : i32
        %parallel_loop3A_131 = vector.broadcast %parallel_loop3A_130 : i32 to vector<16xi32>
        %parallel_loop3A_132 = arith.addi %parallel_loop3A_105, %parallel_loop3A_131 : vector<16xi32>
        scf.yield %parallel_loop3A_132 : vector<16xi32>
      } {sc.loop_unroll_factor = 8 : i64, sc.parallel_access}
      %mul3A_58 = arith.constant 64 : i32
      %mul3A_59 = arith.muli %add3A_41, %mul3A_58 : i32
      %dma_start3A_60 = arith.constant 0 : i32
      %dma_start3A_61 = arith.constant 0 : i32
      %dma_start3A_62 = tpu.memref_slice %arg8[%dma_start3A_60, %dma_start3A_61] : memref<64x520xf32, #tpu.memory_space<vmem>> -> memref<64x512xf32, #tpu.memory_space<vmem>>
      %dma_start3A_63 = tpu.memref_slice %arg4[%mul3A_59, %mul3A_2] : memref<3200x16384xf32, #tpu.memory_space<hbm>> -> memref<64x512xf32, #tpu.memory_space<hbm>>
      %dma_start3A_64 = tpu.memref_slice %arg4[%mul3A_59, %mul3A_2] : memref<3200x16384xf32, #tpu.memory_space<hbm>> -> memref<64x512xf32, #tpu.memory_space<hbm>>
      %dma_start3A_65 = arith.constant 0 : i32
      %dma_start3A_66 = arith.constant 0 : i32
      %dma_start3A_67 = tpu.memref_slice %arg8[%dma_start3A_65, %dma_start3A_66] : memref<64x520xf32, #tpu.memory_space<vmem>> -> memref<64x512xf32, #tpu.memory_space<vmem>>
      tpu.enqueue_dma source(%dma_start3A_67 : memref<64x512xf32, #tpu.memory_space<vmem>>) target(%dma_start3A_64 : memref<64x512xf32, #tpu.memory_space<hbm>>) target_semaphore(%arg11 : memref<!tpu.dma_semaphore, #tpu.memory_space<semaphore_mem>>)
      %mul3A_68 = arith.constant 2 : i32
      %mul3A_69 = arith.muli %mul3A_68, %scan3A_37 : i32
      %add3A_70 = arith.constant 1 : i32
      %add3A_71 = arith.addi %mul3A_69, %add3A_70 : i32
      %dma_wait3A_72 = arith.constant 0 : i32
      %dma_wait3A_73 = arith.constant 0 : i32
      %dma_wait3A_74 = tpu.memref_slice %arg2[%dma_wait3A_72, %dma_wait3A_73] : memref<1000000x64xf32, #tpu.memory_space<hbm>> -> memref<512x64xf32, #tpu.memory_space<hbm>>
      %dma_wait3A_75 = arith.constant 0 : i32
      %dma_wait3A_76 = arith.constant 0 : i32
      %dma_wait3A_77 = tpu.memref_slice %arg2[%dma_wait3A_75, %dma_wait3A_76] : memref<1000000x64xf32, #tpu.memory_space<hbm>> -> memref<512x64xf32, #tpu.memory_space<hbm>>
      tpu.wait_dma2 semaphore(%arg10 : memref<!tpu.dma_semaphore, #tpu.memory_space<semaphore_mem>>) src(%dma_wait3A_77 : memref<512x64xf32, #tpu.memory_space<hbm>>) dst(%arg7 : memref<512x64xf32, #tpu.memory_space<vmem>>)
      %lt3A_78 = arith.constant 49 : i32
      %lt3A_79 = arith.cmpi slt, %add3A_71, %lt3A_78 : i32
      %convert_element_type3A_80 = arith.extui %lt3A_79 : i1 to i32
      %cond3A_81 = arith.constant 0 : i32
      %cond3A_82 = arith.cmpi ne, %convert_element_type3A_80, %cond3A_81 : i32
      scf.if %cond3A_82 {
        %add3A_104 = arith.constant 1 : i32
        %add3A_105 = arith.addi %add3A_71, %add3A_104 : i32
        %dma_start3A_106 = arith.constant 0 : i32
        %dma_start3A_107 = tpu.memref_slice %arg5[%add3A_105, %dma_start3A_106] : memref<50x512xi32, #tpu.memory_space<vmem>> -> memref<1x512xi32, #tpu.memory_space<vmem>>
        %dma_start3A_108 = tpu.memref_squeeze %dma_start3A_107 : memref<1x512xi32, #tpu.memory_space<vmem>> -> memref<512xi32, #tpu.memory_space<vmem>>
        %dma_start3A_109 = arith.constant 0 : i32
        %dma_start3A_110 = arith.constant 0 : i32
        %dma_start3A_111 = tpu.memref_slice %arg2[%dma_start3A_109, %dma_start3A_110] : memref<1000000x64xf32, #tpu.memory_space<hbm>> -> memref<1000000x64xf32, #tpu.memory_space<hbm>>
        tpu.enqueue_indirect_dma source(%dma_start3A_111 : memref<1000000x64xf32, #tpu.memory_space<hbm>>) target(%arg6 : memref<512x64xf32, #tpu.memory_space<vmem>>) offsets(%dma_start3A_108 : memref<512xi32, #tpu.memory_space<vmem>>) semaphore(%arg9 : memref<!tpu.dma_semaphore, #tpu.memory_space<semaphore_mem>>)
      } else {
      }
      %ge3A_83 = arith.constant 1 : i32
      %ge3A_84 = arith.cmpi sge, %add3A_71, %ge3A_83 : i32
      %convert_element_type3A_85 = arith.extui %ge3A_84 : i1 to i32
      %cond3A_86 = arith.constant 0 : i32
      %cond3A_87 = arith.cmpi ne, %convert_element_type3A_85, %cond3A_86 : i32
      scf.if %cond3A_87 {
        %dma_wait3A_104 = arith.constant 0 : i32
        %dma_wait3A_105 = arith.constant 0 : i32
        %dma_wait3A_106 = tpu.memref_slice %arg8[%dma_wait3A_104, %dma_wait3A_105] : memref<64x520xf32, #tpu.memory_space<vmem>> -> memref<64x512xf32, #tpu.memory_space<vmem>>
        %dma_wait3A_107 = arith.constant 0 : i32
        %dma_wait3A_108 = arith.constant 0 : i32
        %dma_wait3A_109 = tpu.memref_slice %arg4[%dma_wait3A_107, %dma_wait3A_108] : memref<3200x16384xf32, #tpu.memory_space<hbm>> -> memref<64x512xf32, #tpu.memory_space<hbm>>
        %dma_wait3A_110 = arith.constant 0 : i32
        %dma_wait3A_111 = arith.constant 0 : i32
        %dma_wait3A_112 = tpu.memref_slice %arg8[%dma_wait3A_110, %dma_wait3A_111] : memref<64x520xf32, #tpu.memory_space<vmem>> -> memref<64x512xf32, #tpu.memory_space<vmem>>
        %dma_wait3A_113 = arith.constant 0 : i32
        %dma_wait3A_114 = arith.constant 0 : i32
        %dma_wait3A_115 = tpu.memref_slice %arg4[%dma_wait3A_113, %dma_wait3A_114] : memref<3200x16384xf32, #tpu.memory_space<hbm>> -> memref<64x512xf32, #tpu.memory_space<hbm>>
        tpu.wait_dma2 semaphore(%arg11 : memref<!tpu.dma_semaphore, #tpu.memory_space<semaphore_mem>>) src(%dma_wait3A_115 : memref<64x512xf32, #tpu.memory_space<hbm>>) dst(%dma_wait3A_112 : memref<64x512xf32, #tpu.memory_space<vmem>>)
      } else {
      }
      %broadcast_in_dim3A_88 = arith.constant 0 : i32
      %broadcast_in_dim3A_89 = vector.broadcast %broadcast_in_dim3A_88 : i32 to vector<16xi32>
      %parallel_loop3A_90 = arith.constant 0 : i32
      %parallel_loop3A_91 = arith.constant 512 : i32
      %parallel_loop3A_92 = arith.constant 1 : i32
      %parallel_loop3A_93 = scf.for %parallel_loop3A_104 = %parallel_loop3A_90 to %parallel_loop3A_91 step %parallel_loop3A_92 iter_args(%parallel_loop3A_105 = %broadcast_in_dim3A_89) -> (vector<16xi32>)  : i32 {
        %parallel_loop3A_106 = arith.index_cast %parallel_loop3A_104 : i32 to index
        %parallel_loop3A_107 = arith.constant 0 : index
        %parallel_loop3A_108 = tpu.vector_load %arg7[%parallel_loop3A_106, %parallel_loop3A_107] {strides = array<i32>} : memref<512x64xf32, #tpu.memory_space<vmem>>, vector<16xf32>,
        %parallel_loop3A_109 = arith.constant 8.000000e+00 : f32
        %parallel_loop3A_110 = vector.broadcast %parallel_loop3A_109 : f32 to vector<16xf32>
        %parallel_loop3A_111 = arith.mulf %parallel_loop3A_108, %parallel_loop3A_110 : vector<16xf32>
        tpu.vector_store_idx %arg8[%add3A_5, %parallel_loop3A_105], %parallel_loop3A_111 : memref<64x520xf32, #tpu.memory_space<vmem>>[vector<16xi32>, vector<16xi32>], vector<16xf32>,
        %parallel_loop3A_112 = arith.index_cast %parallel_loop3A_104 : i32 to index
        %parallel_loop3A_113 = arith.constant 16 : index
        %parallel_loop3A_114 = tpu.vector_load %arg7[%parallel_loop3A_112, %parallel_loop3A_113] {strides = array<i32>} : memref<512x64xf32, #tpu.memory_space<vmem>>, vector<16xf32>,
        %parallel_loop3A_115 = arith.constant 8.000000e+00 : f32
        %parallel_loop3A_116 = vector.broadcast %parallel_loop3A_115 : f32 to vector<16xf32>
        %parallel_loop3A_117 = arith.mulf %parallel_loop3A_114, %parallel_loop3A_116 : vector<16xf32>
        tpu.vector_store_idx %arg8[%add3A_8, %parallel_loop3A_105], %parallel_loop3A_117 : memref<64x520xf32, #tpu.memory_space<vmem>>[vector<16xi32>, vector<16xi32>], vector<16xf32>,
        %parallel_loop3A_118 = arith.index_cast %parallel_loop3A_104 : i32 to index
        %parallel_loop3A_119 = arith.constant 32 : index
        %parallel_loop3A_120 = tpu.vector_load %arg7[%parallel_loop3A_118, %parallel_loop3A_119] {strides = array<i32>} : memref<512x64xf32, #tpu.memory_space<vmem>>, vector<16xf32>,
        %parallel_loop3A_121 = arith.constant 8.000000e+00 : f32
        %parallel_loop3A_122 = vector.broadcast %parallel_loop3A_121 : f32 to vector<16xf32>
        %parallel_loop3A_123 = arith.mulf %parallel_loop3A_120, %parallel_loop3A_122 : vector<16xf32>
        tpu.vector_store_idx %arg8[%add3A_11, %parallel_loop3A_105], %parallel_loop3A_123 : memref<64x520xf32, #tpu.memory_space<vmem>>[vector<16xi32>, vector<16xi32>], vector<16xf32>,
        %parallel_loop3A_124 = arith.index_cast %parallel_loop3A_104 : i32 to index
        %parallel_loop3A_125 = arith.constant 48 : index
        %parallel_loop3A_126 = tpu.vector_load %arg7[%parallel_loop3A_124, %parallel_loop3A_125] {strides = array<i32>} : memref<512x64xf32, #tpu.memory_space<vmem>>, vector<16xf32>,
        %parallel_loop3A_127 = arith.constant 8.000000e+00 : f32
        %parallel_loop3A_128 = vector.broadcast %parallel_loop3A_127 : f32 to vector<16xf32>
        %parallel_loop3A_129 = arith.mulf %parallel_loop3A_126, %parallel_loop3A_128 : vector<16xf32>
        tpu.vector_store_idx %arg8[%add3A_14, %parallel_loop3A_105], %parallel_loop3A_129 : memref<64x520xf32, #tpu.memory_space<vmem>>[vector<16xi32>, vector<16xi32>], vector<16xf32>,
        %parallel_loop3A_130 = arith.constant 1 : i32
        %parallel_loop3A_131 = vector.broadcast %parallel_loop3A_130 : i32 to vector<16xi32>
        %parallel_loop3A_132 = arith.addi %parallel_loop3A_105, %parallel_loop3A_131 : vector<16xi32>
        scf.yield %parallel_loop3A_132 : vector<16xi32>
      } {sc.loop_unroll_factor = 8 : i64, sc.parallel_access}
      %mul3A_94 = arith.constant 64 : i32
      %mul3A_95 = arith.muli %add3A_71, %mul3A_94 : i32
      %dma_start3A_96 = arith.constant 0 : i32
      %dma_start3A_97 = arith.constant 0 : i32
      %dma_start3A_98 = tpu.memref_slice %arg8[%dma_start3A_96, %dma_start3A_97] : memref<64x520xf32, #tpu.memory_space<vmem>> -> memref<64x512xf32, #tpu.memory_space<vmem>>
      %dma_start3A_99 = tpu.memref_slice %arg4[%mul3A_95, %mul3A_2] : memref<3200x16384xf32, #tpu.memory_space<hbm>> -> memref<64x512xf32, #tpu.memory_space<hbm>>
      %dma_start3A_100 = tpu.memref_slice %arg4[%mul3A_95, %mul3A_2] : memref<3200x16384xf32, #tpu.memory_space<hbm>> -> memref<64x512xf32, #tpu.memory_space<hbm>>
      %dma_start3A_101 = arith.constant 0 : i32
      %dma_start3A_102 = arith.constant 0 : i32
      %dma_start3A_103 = tpu.memref_slice %arg8[%dma_start3A_101, %dma_start3A_102] : memref<64x520xf32, #tpu.memory_space<vmem>> -> memref<64x512xf32, #tpu.memory_space<vmem>>
      tpu.enqueue_dma source(%dma_start3A_103 : memref<64x512xf32, #tpu.memory_space<vmem>>) target(%dma_start3A_100 : memref<64x512xf32, #tpu.memory_space<hbm>>) target_semaphore(%arg11 : memref<!tpu.dma_semaphore, #tpu.memory_space<semaphore_mem>>)
    }
    %scan3A_25 = arith.constant 25 : i32
    %dma_wait3A = arith.constant 0 : i32
    %dma_wait3A_26 = arith.constant 0 : i32
    %dma_wait3A_27 = tpu.memref_slice %arg8[%dma_wait3A, %dma_wait3A_26] : memref<64x520xf32, #tpu.memory_space<vmem>> -> memref<64x512xf32, #tpu.memory_space<vmem>>
    %dma_wait3A_28 = arith.constant 0 : i32
    %dma_wait3A_29 = arith.constant 0 : i32
    %dma_wait3A_30 = tpu.memref_slice %arg4[%dma_wait3A_28, %dma_wait3A_29] : memref<3200x16384xf32, #tpu.memory_space<hbm>> -> memref<64x512xf32, #tpu.memory_space<hbm>>
    %dma_wait3A_31 = arith.constant 0 : i32
    %dma_wait3A_32 = arith.constant 0 : i32
    %dma_wait3A_33 = tpu.memref_slice %arg8[%dma_wait3A_31, %dma_wait3A_32] : memref<64x520xf32, #tpu.memory_space<vmem>> -> memref<64x512xf32, #tpu.memory_space<vmem>>
    %dma_wait3A_34 = arith.constant 0 : i32
    %dma_wait3A_35 = arith.constant 0 : i32
    %dma_wait3A_36 = tpu.memref_slice %arg4[%dma_wait3A_34, %dma_wait3A_35] : memref<3200x16384xf32, #tpu.memory_space<hbm>> -> memref<64x512xf32, #tpu.memory_space<hbm>>
    tpu.wait_dma2 semaphore(%arg11 : memref<!tpu.dma_semaphore, #tpu.memory_space<semaphore_mem>>) src(%dma_wait3A_36 : memref<64x512xf32, #tpu.memory_space<hbm>>) dst(%dma_wait3A_33 : memref<64x512xf32, #tpu.memory_space<vmem>>)
    return
  }
}

</mosaic_0001>

<sc_bundles>
// kernel: kernel.3.cloned.1.call-start
scs
__scs_entry_jumppad:
0x0: {  	(pc) =	sbr.rel $0x88, $3  }
0x1: {  	(tag) =	ssettag $0x0;
	lr =	simm.s32 $0x1  }
0x2: {  	[smem:$0x3F9F] =	sst lr;
	_ =	strace $0xD0000000  }
0x3: {  	_ = 	snop  }
0x4: {  	_ = 	snop  }
0x5: {  	_ = 	snop  }
0x6: {  	_ = 	snop  }
0x7: {  	_ = 	snop  }
__scs_overlays_trampoline_lowered:
0x8: {  	[smem:$0x3FAE] =	sst s0  }
0x9: {  	[smem:$0x3FAF] =	sst s1  }
0xa: {  	[smem:$0x3FB0] =	sst s2  }
0xb: {  	[smem:$0x3FB1] =	sst s3  }
0xc: {  	[smem:$0x3FB2] =	sst s4  }
0xd: {  	[smem:$0x3FB3] =	sst s5  }
0xe: {  	[smem:$0x3FB4] =	sst s6  }
0xf: {  	[smem:$0x3FB5] =	sst s7  }
0x10: {  	[smem:$0x3FB6] =	sst s8  }
0x11: {  	[smem:$0x3FB7] =	sst s9;
	s0 =	simm.s32 @!p0 $0x0  }
0x12: {  	s1 =	sld [smem:$0x3F9D];
	s0 =	simm.s32 @p0 $0x1  }
0x13: {  	[smem:$0x3FB8] =	sst s0;
	s0 =	simm.s32 @!p1 $0x0  }
0x14: {  	s2 =	sld [smem:$0x3F9C];
	s0 =	simm.s32 @p1 $0x1  }
0x15: {  	[smem:$0x3FB9] =	sst s0;
	s0 =	simm.s32 @!p2 $0x0  }
0x16: {  	s3 =	sld [smem:$0x3FDB];
	s0 =	simm.s32 @p2 $0x1  }
0x17: {  	s4 =	simm.s32 $0x1BF5;
	[smem:$0x3FBB] =	sst s0  }
0x18: {  	s0 =	sld [smem:$0x3F9E];
	_ =	swait.ge [sflag:s4], $0x0  }
0x19: {  	s7 =	sld [smem:$0x3F9F]  }
0x1a: {  	s8 =	sadd.s32 $0xFFFFE003, lr  }
0x1b: {  	s9 =	sadd.s32 $0xFFFFFEF7, lr;
	s5 =	simm.s32 $0xFFFFFFFF;
	p2 =	slt.u32 s8, $0xFFFFF086  }
0x1c: {  	p1 =	slt.u32 s9, $0xF7A;
	s5 =	simm.s32 @!p2 $0x0  }
0x1d: {  	s5 =	simm.s32 @p1 $0x1;
	p0 =	seq.s32 s7, s2  }
0x1e: {  	s7 =	smul.u32 @!p0 $0xF7A, s2;
	p2 =	seq.s32 @!p0 s5, $0x0  }
0x1f: {  	s9 =	smul.u32 $0xF7A, s1;
	s8 =	simm.s32 @!p0 $0x1BF5;
	p2 =	por !p2, p0  }
0x20: {  	[sflag:s8] =	ssyncset.s32 @!p0 $0xFFFFF086;
	s6 =	sadd.s32 @!p0 s3, s7;
	s7 =	simm.s32 @!p0 $0x108  }
0x21: {  	s3 =	sadd.s32 s3, s9;
	s6 =	sadd.s32 @!p0 $0x88, s6;
	s7 =	simm.s32 @p2 $0x1082  }
0x22: {  	[simem:s7], [sflag:s8] =	dma.local @!p0 [hbm:s6], $0xF7A  }
0x23: {  	s9 =	sor.u32 $0xD0000000, s2;
	s6 =	simm.s32 $0x108;
	_ =	swait.ge @!p0 [sflag:s8], $0x0  }
0x24: {  	s3 =	sadd.s32 $0x88, s3;
	s6 =	simm.s32 @!p1 $0x1082;
	[sflag:s4] =	ssyncset.s32 $0xFFFFF086  }
0x25: {  	[simem:s6], [sflag:s4] =	dma.local [hbm:s3], $0xF7A  }
0x26: {  	[smem:$0x3F9F] =	sst s1;
	(tag) =	ssettag s2;
	_ =	strace s9  }
0x27: {  	s1 =	sld [smem:$0x3FAF]  }
0x28: {  	s2 =	sld [smem:$0x3FB0]  }
0x29: {  	s4 =	sld [smem:$0x3FB2]  }
0x2a: {  	p0 =	seq.s32 s5, $0x0;
	s5 =	sld [smem:$0x3FB3]  }
0x2b: {  	s6 =	sld [smem:$0x3FB4]  }
0x2c: {  	s7 =	sld [smem:$0x3FB5]  }
0x2d: {  	s3 =	simm.s32 $0x108;
	s8 =	sld [smem:$0x3FB6]  }
0x2e: {  	s3 =	simm.s32 @!p0 $0x1082;
	s9 =	sld [smem:$0x3FB7]  }
0x2f: {  	lr =	sadd.s32 s0, s3;
	s0 =	sld [smem:$0x3FAE]  }
0x30: {  	s3 =	sld [smem:$0x3FB1]  }
0x31: {  	[smem:$0x3FBA] =	sst s10  }
0x32: {  	s10 =	sld [smem:$0x3FB8];
	_ =	sdelay $0x3  }
0x33: {  	p0 =	seq.s32 s10, $0x1;
	s10 =	sld [smem:$0x3FBA];
	_ =	sdelay $0x3  }
0x34: {  	[smem:$0x3FBA] =	sst s10  }
0x35: {  	s10 =	sld [smem:$0x3FB9];
	_ =	sdelay $0x3  }
0x36: {  	p1 =	seq.s32 s10, $0x1;
	s10 =	sld [smem:$0x3FBA];
	_ =	sdelay $0x3  }
0x37: {  	[smem:$0x3FBA] =	sst s10  }
0x38: {  	s10 =	sld [smem:$0x3FBB]  }
0x39: {  	_ = 	snop;
	(pc) =	sbr.ind lr, $3  }
0x3a: {  	_ = 	snop  }
0x3b: {  	_ = 	snop  }
0x3c: {  	p2 =	seq.s32 s10, $0x1;
	s10 =	sld [smem:$0x3FBA]  }
0x3d: {  	_ =	shalt  }
0x3e: {  	_ =	shalt  }
0x3f: {  	_ =	shalt  }
0x40: {  	_ =	shalt  }
0x41: {  	_ =	shalt  }
0x42: {  	_ =	shalt  }
0x43: {  	_ =	shalt  }
0x44: {  	_ =	shalt  }
0x45: {  	_ =	shalt  }
0x46: {  	_ =	shalt  }
0x47: {  	_ =	shalt  }
0x48: {  	_ =	shalt  }
0x49: {  	_ =	shalt  }
0x4a: {  	_ =	shalt  }
0x4b: {  	_ =	shalt  }
0x4c: {  	_ =	shalt  }
0x4d: {  	_ =	shalt  }
0x4e: {  	_ =	shalt  }
0x4f: {  	_ =	shalt  }
0x50: {  	_ =	shalt  }
0x51: {  	_ =	shalt  }
0x52: {  	_ =	shalt  }
0x53: {  	_ =	shalt  }
0x54: {  	_ =	shalt  }
0x55: {  	_ =	shalt  }
0x56: {  	_ =	shalt  }
0x57: {  	_ =	shalt  }
0x58: {  	_ =	shalt  }
0x59: {  	_ =	shalt  }
0x5a: {  	_ =	shalt  }
0x5b: {  	_ =	shalt  }
0x5c: {  	_ =	shalt  }
0x5d: {  	_ =	shalt  }
0x5e: {  	_ =	shalt  }
0x5f: {  	_ =	shalt  }
0x60: {  	_ =	shalt  }
0x61: {  	_ =	shalt  }
0x62: {  	_ =	shalt  }
0x63: {  	_ =	shalt  }
0x64: {  	_ =	shalt  }
0x65: {  	_ =	shalt  }
0x66: {  	_ =	shalt  }
0x67: {  	_ =	shalt  }
0x68: {  	_ =	shalt  }
0x69: {  	_ =	shalt  }
0x6a: {  	_ =	shalt  }
0x6b: {  	_ =	shalt  }
0x6c: {  	_ =	shalt  }
0x6d: {  	_ =	shalt  }
0x6e: {  	_ =	shalt  }
0x6f: {  	_ =	shalt  }
0x70: {  	_ =	shalt  }
0x71: {  	_ =	shalt  }
0x72: {  	_ =	shalt  }
0x73: {  	_ =	shalt  }
0x74: {  	_ =	shalt  }
0x75: {  	_ =	shalt  }
0x76: {  	_ =	shalt  }
0x77: {  	_ =	shalt  }
0x78: {  	_ =	shalt  }
0x79: {  	_ =	shalt  }
0x7a: {  	_ =	shalt  }
0x7b: {  	_ =	shalt  }
0x7c: {  	_ =	shalt  }
0x7d: {  	_ =	shalt  }
0x7e: {  	_ =	shalt  }
0x7f: {  	_ =	shalt  }
0x80: {  	_ =	shalt  }
0x81: {  	_ =	shalt  }
0x82: {  	_ =	shalt  }
0x83: {  	_ =	shalt  }
0x84: {  	_ =	shalt  }
0x85: {  	_ =	shalt  }
0x86: {  	_ =	shalt  }
0x87: {  	_ =	shalt  }
.Lfunc_end0:
.L_simem_size_0:
called_computation_lowered:
.L_overlay_start_0:
0x88: {  	s2 =	sld [smem:$0x3FD9]  }
0x89: {  	s3 =	sld [smem:$0x3FFE];
	_ =	sdelay $0x1  }
0x8a: {  	s1 =	srdreg.scid  }
0x8b: {  	s0 =	sand.u32 $0x1, s1  }
0x8c: {  	s17 =	sshll.u32 s0, $0xA;
	s2 =	sadd.s32 s3, s2  }
0x8d: {  	s2 =	sadd.s32 s2, s17  }
0x8e: {  	[smem:$0x3FC6] =	sst s2  }
0x8f: {  	_ = 	snop  }
0x90: {  	s2 =	sld [smem:$0x3FD0];
	(tm) =	ssettm $0x1  }
0x91: {  	s18 =	sld [smem:$0x3FFB];
	_ =	sdelay $0x3  }
0x92: {  	_ =	strace s18  }
0x93: {  	s3 =	sld [smem:$0x3FFC];
	_ =	sdelay $0x3  }
0x94: {  	_ =	strace s3  }
0x95: {  	s3 =	sld [smem:$0x3FFD];
	_ =	sdelay $0x3  }
0x96: {  	_ =	strace s3  }
0x97: {  	_ =	strace $0x8FFFFFFF  }
0x98: {  	s19 =	sld [smem:$0x3FDB];
	_ =	sdelay $0x1  }
0x99: {  	s4 =	simm.s32 $_scs_section_size  }
0x9a: {  	s5 =	simm.s32 $_size__tile_overlayer_lowered;
	s6 =	simm.s32 $_tile_overlayer_lowered  }
0x9b: {  	s22 =	simm.s32 $0x1BFF;
	s21 =	sshll.u32 s6, $0x1;
	s3 =	sadd.s32 s4, s19  }
0x9c: {  	s7 =	simm.s32 $0x0;
	s20 =	sshll.u32 s5, $0x1;
	s5 =	sadd.s32 s21, s3  }
0x9d: {  	[timem:s7], [sflag:s22] =	dma.local [hbm:s5], s20  }
0x9e: {  	_ =	swait.ge [sflag:s22], s20  }
0x9f: {  	s4 =	ssub.s32 $0x0, s20;
	[sflag:s22] =	ssyncset.done $0x0  }
0xa0: {  	[sflag:s22] =	ssyncadd.s32 s4;
	_ =	sdelay $0x1  }
0xa1: {  	s23 =	simm.s32 $0x1B8B  }
0xa2: {  	_ =	swait.ge [sflag:s23], $0x1  }
0xa3: {  	[sflag:s23] =	ssyncset.done $0x0  }
0xa4: {  	s25 =	simm.s32 $0x1B8E;
	s24 =	sld [smem:$0x3FFE];
	[sflag:s23] =	ssyncadd.s32 $0xFFFFFFFF  }
0xa5: {  	s26 =	simm.s32 $execute0_lowered;
	[smem:$0x3FD2] =	sst s25  }
0xa6: {  	s5 =	sshll.u32 s26, $0x1;
	_ =	strace $0x80000046;
	[dreg:$0x1] =	wrdreg $0xFFFFFFFF  }
0xa7: {  	s28 =	simm.s32 $_size_execute0_lowered;
	s3 =	sadd.s32 s3, s5;
	[dreg:$0x0] =	wrdreg $0x0  }
0xa8: {  	s5 =	sshll.u32 s28, $0x1;
	[dreg:$0x2] =	wrdreg s3  }
0xa9: {  	[dreg:$0x3] =	wrdreg s5  }
0xaa: {  	[dreg:$0x4] =	wrdreg $0xC0  }
0xab: {  	_ =	task [dreg:s7], $0x5FFFF  }
0xac: {  	[dreg:$0x1] =	wrdreg $0xFFFFFFFF  }
0xad: {  	[dreg:$0x0] =	wrdreg $0x60  }
0xae: {  	[dreg:$0x2] =	wrdreg s24  }
0xaf: {  	[dreg:$0x3] =	wrdreg s2  }
0xb0: {  	[dreg:$0x4] =	wrdreg $0x9  }
0xb1: {  	_ =	task.clear_ibuf [dreg:s7], $0x5FFFF;
	_ =	strace $0x90000046  }
0xb2: {  	s29 =	simm.s32 $0x9;
	_ =	strace $0x80000048  }
0xb3: {  	_ =	swait.ge [sflag:s29], $0x1  }
0xb4: {  	[sflag:s29] =	ssyncadd.s32 $0xFFFFFFFF  }
0xb5: {  	_ =	strace $0x90000048  }
0xb6: {  	_ =	sfence  }
0xb7: {  	s30 =	sld [smem:$0x0];
	_ =	sdelay $0x2  }
0xb8: {  	s31 =	sshll.u32 s1, $0xD;
	s1 =	sshrl.u32 s1, $0x2  }
0xb9: {  	s3 =	sand.u32 $0x4000, s31;
	s1 =	sadd.s32 s1, s30  }
0xba: {  	s0 =	sor.u32 s3, s0;
	s1 =	sshll.u32 s1, $0x11  }
0xbb: {  	s0 =	sor.u32 s1, s0  }
0xbc: {  	s0 =	sadd.s32 $0x8F2B, s0  }
0xbd: {  	[sflag:s0] =	ssyncadd.remote.s32 $0x1  }
0xbe: {  	_ =	sfence.sel $0xFFFF  }
0xbf: {  	[dreg:$0x0] =	wrdreg $0xFFFFFFFF;
	(pc) =	sbr.abs _section_cstart, $3  }
0xc0: {  	[dreg:$0x1] =	wrdreg $0xFFFFFFFF  }
0xc1: {  	_ =	task.clear_ibuf [dreg:s7], $0x2FFFF;
	_ =	strace $0x9FFFFFFF  }
0xc2: {  	(tm) =	ssettm $0x7FFFFFFF  }
0xc3: {  	_ =	shalt  }
tec
execute0_lowered:
.L_overlay_start_1:
0x0: {  	(tag) =	ssettag $0x1  }
0x1: {  	v0 =	vlaneseq.u32  }
0x2: {  	v0 =	vmul.u32 $0x208, v0  }
0x3: {  	s5 =	rddreg [dreg:$0x0]  }
0x4: {  	s6 =	rddreg [dreg:$0x1];
	v1 =	vadd.s32 $0x2080, v0  }
0x5: {  	s0 =	rddreg [dreg:$0x2];
	v2 =	vadd.s32 $0x4100, v0;
	v3 =	vadd.s32 $0x6180, v0;
	v4 =	vor.u32 $0x1, v0  }
0x6: {  	s1 =	simm.s32 $0x0;
	s3 =	srdreg.scid;
	s2 =	stileid.u32;
	v5 =	vadd.s32 $0x2081, v0;
	v6 =	vadd.s32 $0x4101, v0;
	v7 =	vadd.s32 $0x6181, v0  }
0x7: {  	s10 =	simm.s32 $0x4;
	s11 =	simm.s32 $0x6400;
	s12 =	simm.s32 $0x1;
	v8 =	vor.u32 $0x2, v0;
	v9 =	vadd.s32 $0x2082, v0;
	v10 =	vadd.s32 $0x4102, v0  }
0x8: {  	s13 =	simm.s32 $0xE400;
	s14 =	simm.s32 $0x16400;
	s15 =	simm.s32 $0x2;
	v11 =	vadd.s32 $0x6182, v0;
	v12 =	vor.u32 $0x3, v0;
	v13 =	vadd.s32 $0x2083, v0  }
0x9: {  	s16 =	simm.s32 $0x3;
	s17 =	simm.s32 $0x0;
	[smem:$0x7FF] =	sst s1;
	v14 =	vadd.s32 $0x4103, v0;
	v15 =	vadd.s32 $0x6183, v0;
	v16 =	vor.u32 $0x4, v0  }
0xa: {  	s3 =	sand.u32 $0x1, s3;
	s4 =	sshll.u32 s2, $0xA;
	_ =	strace $0x80000047;
	v17 =	vadd.s32 $0x2084, v0;
	v18 =	vadd.s32 $0x4104, v0;
	v19 =	vadd.s32 $0x6184, v0  }
0xb: {  	s7 =	ssub.s32 $0x2, s3;
	s8 =	sshll.u32 s3, $0x9;
	s3 =	sadd.s32 $0xF42A00, s5;
	v20 =	vor.u32 $0x5, v0;
	v21 =	vadd.s32 $0x2085, v0;
	v22 =	vadd.s32 $0x4105, v0  }
0xc: {  	s5 =	sadd.s32 $0x600, s5;
	s9 =	sshrl.u32 s7, $0x1;
	s4 =	sor.u32 s8, s4;
	v23 =	vadd.s32 $0x6185, v0;
	v24 =	vor.u32 $0x6, v0;
	v25 =	vadd.s32 $0x2086, v0  }
0xd: {  	v26 =	vadd.s32 $0x4106, v0;
	v27 =	vadd.s32 $0x6186, v0;
	v28 =	vor.u32 $0x7, v0;
	s7 =	ssub.s32 s7, s9;
	s8 =	sshrl.u32 s4, $0x3;
	s9 =	simm.s32 $0x4000  }
0xe: {  	v29 =	vadd.s32 $0x2087, v0;
	v30 =	vadd.s32 $0x4107, v0;
	v31 =	vadd.s32 $0x6187, v0;
	s6 =	sadd.s32 s6, s8;
	s7 =	smax.u32 s7, $0x1;
	s8 =	simm.s32 $0x200  }
.LBB2_1:
0xf: {  	[tilespmem:s1], [sflag:$0x4] =	stream.strided.gather [hbm4b:s6+s8], $0x6400, s9, s8, $0x38;
	[tilespmem:$0x1E600] =	vst v63  }
0x10: {  	_ =	swait.ge [sflag:s10], $0x6400  }
0x11: {  	[sflag:s10] =	ssyncset.done $0x0  }
0x12: {  	s18 =	simm.s32 $0x0;
	[sflag:s10] =	ssyncadd.s32 $0xFFFF9C00  }
0x13: {  	[tilespmem:s11], [sflag:$0x1] =	stream.indirect.gather [hbm4b:s3+s8], $0x40, s1, s8, $0xb8;
	[tilespmem:$0x1E600] =	vst v63  }
.LBB2_2:
0x14: {  	_ =	swait.ge [sflag:s12], $0x8000;
	s19 =	sshll.u32 s18, $0xA  }
0x15: {  	[sflag:s12] =	ssyncset.done $0x0;
	s19 =	sand.u32 $0x3FFFFC00, s19  }
0x16: {  	p0 =	seq.s32 s18, $0x0;
	[sflag:s12] =	ssyncadd.s32 $0xFFFF8000;
	s20 =	sor.u32 $0x200, s19  }
0x17: {  	[tilespmem:s13], [sflag:$0x2] =	stream.indirect.gather [hbm4b:s3+s8], $0x40, s20, s8, $0xb8;
	[tilespmem:$0x1E600] =	vst v63  }
0x18: {  	s20 =	simm.s32 @!p0 $0x3  }
0x19: {  	_ =	swait.ge @!p0 [sflag:s20], $0x8000  }
0x1a: {  	[sflag:s20] =	ssyncset.done @!p0 $0x0  }
0x1b: {  	s21 =	simm.s32 $0x6500;
	[sflag:s20] =	ssyncadd.s32 @!p0 $0xFFFF8000  }
0x1c: {  	v32 =	vld [tilespmem:s21+$0xFFFFFF80]  }
0x1d: {  	v34 =	vld [tilespmem:s21+$0x40]  }
0x1e: {  	v36 =	vld [tilespmem:s21+$0xC0]  }
0x1f: {  	v35 =	vimm.s32 $0x0;
	v39 =	vld [tilespmem:s21+$0xFFFFFFC0]  }
0x20: {  	v33 =	vadd.s32 v8, v35;
	v37 =	vld [tilespmem:s21+$0x0]  }
0x21: {  	v53 =	vadd.s32 v12, v35;
	v41 =	vld [tilespmem:s21+$0xFFFFFF00]  }
0x22: {  	v42 =	vadd.s32 v16, v35;
	v45 =	vld [tilespmem:s21+$0xFFFFFF40]  }
0x23: {  	v40 =	vadd.s32 v28, v35;
	s20 =	simm.s32 $0x6700;
	v43 =	vld [tilespmem:s21+$0x80];
	v32 =	vmul.f32 $8.000000000e+00, v32  }
0x24: {  	v49 =	vld [tilespmem:s20+$0xFFFFFF80];
	v56 =	vmul.f32 $8.000000000e+00, v39  }
0x25: {  	v38 =	vadd.s32 v20, v35;
	v55 =	vmul.f32 $8.000000000e+00, v37;
	[tilespmem:v33+s14+$0x0] =	vst.idx.msk $0xffff, v32;
	v32 =	vld [tilespmem:s20+$0x80]  }
0x26: {  	v36 =	vmul.f32 $8.000000000e+00, v36;
	[tilespmem:v53+s14+$0x0] =	vst.idx.msk $0xffff, v56;
	v56 =	vld [tilespmem:s20+$0x40]  }
0x27: {  	v54 =	vadd.s32 v0, v35;
	[tilespmem:v42+s14+$0x0] =	vst.idx.msk $0xffff, v55;
	v55 =	vmul.f32 $8.000000000e+00, v45;
	v45 =	vld [tilespmem:s20+$0x0]  }
0x28: {  	v52 =	vmul.f32 $8.000000000e+00, v34;
	[tilespmem:v40+s14+$0x0] =	vst.idx.msk $0xffff, v36;
	v40 =	vld [tilespmem:s20+$0xC0]  }
0x29: {  	v48 =	vadd.s32 v24, v35;
	v44 =	vld [tilespmem:s21+$0xFFFFFF90]  }
0x2a: {  	v59 =	vmul.f32 $8.000000000e+00, v41;
	[tilespmem:v38+s14+$0x0] =	vst.idx.msk $0xffff, v52;
	v52 =	vadd.s32 v4, v35;
	v51 =	vld [tilespmem:s21+$0xFFFFFFD0]  }
0x2b: {  	v57 =	vadd.s32 v9, v35;
	v58 =	vld [tilespmem:s21+$0xD0]  }
0x2c: {  	v43 =	vmul.f32 $8.000000000e+00, v43;
	[tilespmem:v54+s14+$0x0] =	vst.idx.msk $0xffff, v59;
	v54 =	vadd.s32 v13, v35;
	v38 =	vld [tilespmem:s21+$0x50]  }
0x2d: {  	v47 =	vadd.s32 v29, v35;
	v53 =	vld [tilespmem:s21+$0xFFFFFF10]  }
0x2e: {  	[tilespmem:v48+s14+$0x0] =	vst.idx.msk $0xffff, v43;
	v60 =	vld [tilespmem:s21+$0x10];
	v50 =	vmul.f32 $8.000000000e+00, v44  }
0x2f: {  	v46 =	vadd.s32 v1, v35;
	[tilespmem:v52+s14+$0x0] =	vst.idx.msk $0xffff, v55;
	v52 =	vld [tilespmem:s20+$0xFFFFFF00];
	v34 =	vmul.f32 $8.000000000e+00, v51  }
0x30: {  	v61 =	vadd.s32 v21, v35;
	v42 =	vld [tilespmem:s21+$0xFFFFFF50];
	v39 =	vmul.f32 $8.000000000e+00, v58;
	[tilespmem:v57+s14+$0x0] =	vst.idx.msk $0xffff, v50  }
0x31: {  	v62 =	vadd.s32 v17, v35;
	v58 =	vmul.f32 $8.000000000e+00, v49;
	v49 =	vld [tilespmem:s20+$0xFFFFFF40];
	[tilespmem:v54+s14+$0x0] =	vst.idx.msk $0xffff, v34  }
0x32: {  	v41 =	vmul.f32 $8.000000000e+00, v53;
	v50 =	vadd.s32 v5, v35;
	v34 =	vadd.s32 $0x8, v35;
	[tilespmem:v47+s14+$0x0] =	vst.idx.msk $0xffff, v39;
	v47 =	vld [tilespmem:s20+$0xFFFFFFC0]  }
0x33: {  	v38 =	vmul.f32 $8.000000000e+00, v38;
	v57 =	vld [tilespmem:s21+$0x90];
	v63 =	vadd.s32 v8, v34  }
0x34: {  	v33 =	vmul.f32 $8.000000000e+00, v60;
	[tilespmem:v46+s14+$0x0] =	vst.idx.msk $0xffff, v41;
	v36 =	vld [tilespmem:s21+$0xFFFFFFA0];
	v54 =	vadd.s32 v20, v34  }
0x35: {  	[tilespmem:v61+s14+$0x0] =	vst.idx.msk $0xffff, v38;
	v61 =	vadd.s32 v25, v35;
	v46 =	vld [tilespmem:s21+$0xFFFFFF20];
	v42 =	vmul.f32 $8.000000000e+00, v42  }
0x36: {  	v53 =	vadd.s32 v10, v35;
	[tilespmem:v62+s14+$0x0] =	vst.idx.msk $0xffff, v33;
	v60 =	vld [tilespmem:s21+$0x60]  }
0x37: {  	v59 =	vadd.s32 v2, v35;
	v62 =	vmul.f32 $8.000000000e+00, v56;
	v51 =	vld [tilespmem:s21+$0xFFFFFFE0];
	[tilespmem:v50+s14+$0x0] =	vst.idx.msk $0xffff, v42  }
0x38: {  	v56 =	vadd.s32 v22, v35;
	v48 =	vld [tilespmem:s21+$0x20];
	v37 =	vmul.f32 $8.000000000e+00, v57;
	[tilespmem:v63+s14+$0x0] =	vst.idx.msk $0xffff, v58  }
0x39: {  	v42 =	vld [tilespmem:s21+$0xE0];
	v57 =	vadd.s32 v28, v34;
	v36 =	vmul.f32 $8.000000000e+00, v36;
	[tilespmem:v54+s14+$0x0] =	vst.idx.msk $0xffff, v62  }
0x3a: {  	v63 =	vadd.s32 v14, v35;
	v55 =	vmul.f32 $8.000000000e+00, v46;
	v46 =	vld [tilespmem:s20+$0xFFFFFF90];
	[tilespmem:v61+s14+$0x0] =	vst.idx.msk $0xffff, v37  }
0x3b: {  	v33 =	vmul.f32 $8.000000000e+00, v60;
	v62 =	vadd.s32 v18, v35;
	v54 =	vld [tilespmem:s20+$0x50];
	[tilespmem:v53+s14+$0x0] =	vst.idx.msk $0xffff, v36  }
0x3c: {  	v40 =	vmul.f32 $8.000000000e+00, v40;
	v38 =	vadd.s32 v30, v35;
	[tilespmem:v59+s14+$0x0] =	vst.idx.msk $0xffff, v55;
	v53 =	vld [tilespmem:s21+$0xFFFFFF60]  }
0x3d: {  	v58 =	vmul.f32 $8.000000000e+00, v51;
	v37 =	vadd.s32 v16, v34;
	v60 =	vld [tilespmem:s21+$0xA0];
	[tilespmem:v56+s14+$0x0] =	vst.idx.msk $0xffff, v33  }
0x3e: {  	v41 =	vmul.f32 $8.000000000e+00, v45;
	v45 =	vmul.f32 $8.000000000e+00, v48;
	v59 =	vadd.s32 v12, v34;
	v43 =	vld [tilespmem:s21+$0xFFFFFFB0];
	[tilespmem:v57+s14+$0x0] =	vst.idx.msk $0xffff, v40  }
0x3f: {  	v61 =	vmul.f32 $8.000000000e+00, v42;
	[tilespmem:v63+s14+$0x0] =	vst.idx.msk $0xffff, v58;
	v63 =	vmul.f32 $8.000000000e+00, v47;
	v47 =	vadd.s32 v26, v35;
	v51 =	vld [tilespmem:s20+$0xD0]  }
0x40: {  	v55 =	vadd.s32 v0, v34;
	[tilespmem:v62+s14+$0x0] =	vst.idx.msk $0xffff, v45;
	v42 =	vld [tilespmem:s21+$0xFFFFFFF0]  }
0x41: {  	v56 =	vadd.s32 v6, v35;
	[tilespmem:v38+s14+$0x0] =	vst.idx.msk $0xffff, v61;
	v38 =	vld [tilespmem:s21+$0xFFFFFF30]  }
0x42: {  	v50 =	vmul.f32 $8.000000000e+00, v52;
	v52 =	vadd.s32 v9, v34;
	[tilespmem:v37+s14+$0x0] =	vst.idx.msk $0xffff, v41;
	v48 =	vmul.f32 $8.000000000e+00, v60;
	v58 =	vld [tilespmem:s21+$0xF0]  }
0x43: {  	v39 =	vadd.s32 v23, v35;
	[tilespmem:v59+s14+$0x0] =	vst.idx.msk $0xffff, v63;
	v40 =	vld [tilespmem:s20+$0x10];
	v59 =	vadd.s32 v11, v35  }
0x44: {  	v36 =	vadd.s32 v27, v35;
	v57 =	vadd.s32 v15, v35;
	v44 =	vmul.f32 $8.000000000e+00, v53;
	v60 =	vld [tilespmem:s21+$0x30];
	[tilespmem:v47+s14+$0x0] =	vst.idx.msk $0xffff, v48  }
0x45: {  	v33 =	vadd.s32 v27, v34;
	v46 =	vmul.f32 $8.000000000e+00, v46;
	[tilespmem:v55+s14+$0x0] =	vst.idx.msk $0xffff, v50;
	v50 =	vadd.s32 v4, v34;
	v47 =	vld [tilespmem:s21+$0xB0]  }
0x46: {  	v41 =	vmul.f32 $8.000000000e+00, v49;
	v63 =	vmul.f32 $8.000000000e+00, v43;
	v45 =	vld [tilespmem:s20+$0xFFFFFFD0];
	[tilespmem:v56+s14+$0x0] =	vst.idx.msk $0xffff, v44;
	v48 =	vadd.s32 v29, v34  }
0x47: {  	v37 =	vmul.f32 $8.000000000e+00, v54;
	v49 =	vadd.s32 v19, v35;
	[tilespmem:v52+s14+$0x0] =	vst.idx.msk $0xffff, v46;
	v44 =	vld [tilespmem:s21+$0xFFFFFF70];
	v62 =	vmul.f32 $8.000000000e+00, v42  }
0x48: {  	v43 =	vld [tilespmem:s21+$0x70];
	v52 =	vadd.s32 v3, v35;
	v53 =	vmul.f32 $8.000000000e+00, v51;
	v51 =	vadd.s32 v31, v35;
	[tilespmem:v59+s14+$0x0] =	vst.idx.msk $0xffff, v63  }
0x49: {  	s22 =	simm.s32 $0x8;
	s23 =	simm.s32 $0x6900;
	v46 =	vld [tilespmem:s20+$0xFFFFFF10];
	v42 =	vadd.s32 v7, v35;
	s21 =	sshll.u32 s18, $0x1;
	v35 =	vmovc v34;
	v55 =	vmul.f32 $8.000000000e+00, v60;
	v54 =	vmul.f32 $8.000000000e+00, v58;
	[tilespmem:v57+s14+$0x0] =	vst.idx.msk $0xffff, v62  }
.LBB2_3:
0x4a: {  	s22 =	sadd.s32 $0x8, s22;
	[tilespmem:v50+s14+$0x0] =	vst.idx.msk $0xffff, v41;
	v41 =	vmul.f32 $8.000000000e+00, v32;
	v32 =	vld [tilespmem:s23+$0x80];
	v34 =	vadd.s32 $0x8, v34;
	v47 =	vmul.f32 $8.000000000e+00, v47  }
0x4b: {  	v56 =	vadd.s32 v13, v35;
	v40 =	vmul.f32 $8.000000000e+00, v40;
	p0 =	slt.u32 s22, $0x1F8;
	v50 =	vld [tilespmem:s20+$0xFFFFFFA0];
	v45 =	vmul.f32 $8.000000000e+00, v45;
	[tilespmem:v48+s14+$0x0] =	vst.idx.msk $0xffff, v53  }
0x4c: {  	v38 =	vmul.f32 $8.000000000e+00, v38;
	v48 =	vadd.s32 v8, v34;
	v53 =	vld [tilespmem:s23+$0x40];
	v44 =	vmul.f32 $8.000000000e+00, v44;
	[tilespmem:v49+s14+$0x0] =	vst.idx.msk $0xffff, v55  }
0x4d: {  	v57 =	vadd.s32 v1, v35;
	v49 =	vadd.s32 v0, v34;
	v55 =	vld [tilespmem:s23+$0x0];
	v43 =	vmul.f32 $8.000000000e+00, v43;
	[tilespmem:v51+s14+$0x0] =	vst.idx.msk $0xffff, v54  }
0x4e: {  	v51 =	vadd.s32 v27, v34;
	v54 =	vld [tilespmem:s23+$0xC0];
	[tilespmem:v52+s14+$0x0] =	vst.idx.msk $0xffff, v38  }
0x4f: {  	v38 =	vmul.f32 $8.000000000e+00, v46;
	v52 =	vadd.s32 v24, v35;
	v46 =	vld [tilespmem:s20+$0xFFFFFF50];
	[tilespmem:v36+s14+$0x0] =	vst.idx.msk $0xffff, v47;
	v36 =	vmovc v33;
	v33 =	vmov v51  }
0x50: {  	v47 =	vld [tilespmem:s23+$0xFFFFFF80];
	[tilespmem:v56+s14+$0x0] =	vst.idx.msk $0xffff, v45;
	v45 =	vadd.s32 v21, v35  }
0x51: {  	v51 =	vadd.s32 v5, v35;
	v50 =	vmul.f32 $8.000000000e+00, v50;
	v56 =	vld [tilespmem:s20+$0xFFFFFFE0];
	[tilespmem:v42+s14+$0x0] =	vst.idx.msk $0xffff, v44  }
0x52: {  	v42 =	vld [tilespmem:s23+$0xFFFFFF00];
	[tilespmem:v57+s14+$0x0] =	vst.idx.msk $0xffff, v38;
	v38 =	vadd.s32 v17, v35  }
0x53: {  	v44 =	vld [tilespmem:s20+$0xFFFFFF20];
	[tilespmem:v39+s14+$0x0] =	vst.idx.msk $0xffff, v43  }
0x54: {  	v39 =	vld [tilespmem:s23+$0xFFFFFFC0];
	v43 =	vmul.f32 $8.000000000e+00, v46;
	v46 =	vadd.s32 v10, v35;
	[tilespmem:v52+s14+$0x0] =	vst.idx.msk $0xffff, v41  }
0x55: {  	v41 =	vmul.f32 $8.000000000e+00, v47;
	v47 =	vadd.s32 v20, v34;
	[tilespmem:v45+s14+$0x0] =	vst.idx.msk $0xffff, v37;
	v37 =	vld [tilespmem:s20+$0x90]  }
0x56: {  	v52 =	vadd.s32 v2, v35;
	v45 =	vadd.s32 v28, v34;
	[tilespmem:v51+s14+$0x0] =	vst.idx.msk $0xffff, v43;
	v43 =	vld [tilespmem:s20+$0xE0]  }
0x57: {  	[tilespmem:v38+s14+$0x0] =	vst.idx.msk $0xffff, v40;
	v38 =	vld [tilespmem:s20+$0x60];
	v40 =	vadd.s32 v25, v35  }
0x58: {  	v51 =	vld [tilespmem:s23+$0xFFFFFF40];
	[tilespmem:v48+s14+$0x0] =	vst.idx.msk $0xffff, v41;
	v41 =	vmul.f32 $8.000000000e+00, v53;
	v44 =	vmul.f32 $8.000000000e+00, v44;
	v48 =	vadd.s32 v14, v35  }
0x59: {  	v54 =	vmul.f32 $8.000000000e+00, v54;
	v53 =	vld [tilespmem:s23+$0xFFFFFF90];
	[tilespmem:v46+s14+$0x0] =	vst.idx.msk $0xffff, v50;
	v46 =	vadd.s32 v22, v35  }
0x5a: {  	v39 =	vmul.f32 $8.000000000e+00, v39;
	v50 =	vadd.s32 v30, v35;
	[tilespmem:v47+s14+$0x0] =	vst.idx.msk $0xffff, v41;
	v47 =	vld [tilespmem:s20+$0xFFFFFFB0];
	v37 =	vmul.f32 $8.000000000e+00, v37  }
0x5b: {  	v55 =	vmul.f32 $8.000000000e+00, v55;
	v41 =	vmul.f32 $8.000000000e+00, v56;
	[tilespmem:v52+s14+$0x0] =	vst.idx.msk $0xffff, v44;
	v44 =	vld [tilespmem:s20+$0x20]  }
0x5c: {  	v52 =	vadd.s32 v12, v34;
	v56 =	vld [tilespmem:s20+$0xFFFFFF60];
	v38 =	vmul.f32 $8.000000000e+00, v38;
	[tilespmem:v40+s14+$0x0] =	vst.idx.msk $0xffff, v37  }
0x5d: {  	v43 =	vmul.f32 $8.000000000e+00, v43;
	v37 =	vadd.s32 v16, v34;
	[tilespmem:v48+s14+$0x0] =	vst.idx.msk $0xffff, v41;
	v40 =	vld [tilespmem:s20+$0xA0]  }
0x5e: {  	v57 =	vadd.s32 v18, v35;
	v48 =	vld [tilespmem:s20+$0xFFFFFFF0];
	[tilespmem:v46+s14+$0x0] =	vst.idx.msk $0xffff, v38  }
0x5f: {  	v41 =	vmul.f32 $8.000000000e+00, v51;
	v51 =	vadd.s32 v26, v35;
	v46 =	vld [tilespmem:s23+$0x50];
	[tilespmem:v50+s14+$0x0] =	vst.idx.msk $0xffff, v43  }
0x60: {  	[tilespmem:v45+s14+$0x0] =	vst.idx.msk $0xffff, v54;
	v38 =	vld [tilespmem:s20+$0xFFFFFF30]  }
0x61: {  	v44 =	vmul.f32 $8.000000000e+00, v44;
	[tilespmem:v52+s14+$0x0] =	vst.idx.msk $0xffff, v39;
	v43 =	vld [tilespmem:s23+$0xD0];
	v39 =	vmul.f32 $8.000000000e+00, v56;
	v52 =	vadd.s32 v6, v35  }
0x62: {  	v53 =	vmul.f32 $8.000000000e+00, v53;
	v54 =	vadd.s32 v15, v35;
	[tilespmem:v37+s14+$0x0] =	vst.idx.msk $0xffff, v55;
	v37 =	vmul.f32 $8.000000000e+00, v40;
	v56 =	vld [tilespmem:s20+$0xF0]  }
0x63: {  	v42 =	vmul.f32 $8.000000000e+00, v42;
	v55 =	vadd.s32 v9, v34;
	v40 =	vld [tilespmem:s23+$0x10];
	[tilespmem:v57+s14+$0x0] =	vst.idx.msk $0xffff, v44  }
0x64: {  	v58 =	vadd.s32 v11, v35;
	v57 =	vmul.f32 $8.000000000e+00, v47;
	v59 =	vld [tilespmem:s20+$0x30];
	[tilespmem:v51+s14+$0x0] =	vst.idx.msk $0xffff, v37  }
.Ltmp0:
0x65: {  	v50 =	vadd.s32 v4, v34;
	v37 =	vmul.f32 $8.000000000e+00, v46;
	[tilespmem:v49+s14+$0x0] =	vst.idx.msk $0xffff, v42;
	v42 =	vmul.f32 $8.000000000e+00, v48;
	v47 =	vld [tilespmem:s20+$0xB0];
	(pc) =	sbr.rel @p0 .LBB2_3-.Ltmp0, $4  }
0x66: {  	v48 =	vadd.s32 v29, v34;
	v45 =	vld [tilespmem:s23+$0xFFFFFFD0];
	[tilespmem:v52+s14+$0x0] =	vst.idx.msk $0xffff, v39  }
0x67: {  	v49 =	vadd.s32 v19, v35;
	v39 =	vadd.s32 v23, v35;
	v44 =	vld [tilespmem:s20+$0xFFFFFF70];
	[tilespmem:v54+s14+$0x0] =	vst.idx.msk $0xffff, v42  }
0x68: {  	v51 =	vadd.s32 v31, v35;
	v42 =	vadd.s32 v7, v35;
	[tilespmem:v55+s14+$0x0] =	vst.idx.msk $0xffff, v53;
	v53 =	vmul.f32 $8.000000000e+00, v43;
	v43 =	vld [tilespmem:s20+$0x70];
	s20 =	smov.u32 s23  }
0x69: {  	v52 =	vadd.s32 v3, v35;
	v54 =	vmul.f32 $8.000000000e+00, v56;
	v35 =	vmovc v34;
	s23 =	sadd.s32 $0x200, s23;
	v46 =	vld [tilespmem:s20+$0xFFFFFF10];
	[tilespmem:v58+s14+$0x0] =	vst.idx.msk $0xffff, v57;
	v55 =	vmul.f32 $8.000000000e+00, v59  }
0x6a: {  	_ =	sdelay $0x3  }
0x6b: {  	v34 =	vadd.s32 v24, v35;
	[tilespmem:v50+s14+$0x0] =	vst.idx.msk $0xffff, v41  }
0x6c: {  	[tilespmem:v48+s14+$0x0] =	vst.idx.msk $0xffff, v53  }
0x6d: {  	v57 =	vadd.s32 v13, v35;
	v38 =	vmul.f32 $8.000000000e+00, v38;
	[tilespmem:v49+s14+$0x0] =	vst.idx.msk $0xffff, v55  }
0x6e: {  	v32 =	vmul.f32 $8.000000000e+00, v32;
	v58 =	vadd.s32 v17, v35;
	[tilespmem:v51+s14+$0x0] =	vst.idx.msk $0xffff, v54  }
0x6f: {  	v62 =	vld [tilespmem:s20+$0xFFFFFF50];
	[tilespmem:v52+s14+$0x0] =	vst.idx.msk $0xffff, v38;
	v44 =	vmul.f32 $8.000000000e+00, v44  }
0x70: {  	v60 =	vadd.s32 v1, v35;
	v59 =	vmul.f32 $8.000000000e+00, v45;
	[tilespmem:v34+s14+$0x0] =	vst.idx.msk $0xffff, v32  }
0x71: {  	v63 =	vmul.f32 $8.000000000e+00, v40;
	v51 =	vadd.s32 v5, v35;
	[tilespmem:v42+s14+$0x0] =	vst.idx.msk $0xffff, v44;
	v61 =	vld [tilespmem:s20+$0x90]  }
0x72: {  	v53 =	vld [tilespmem:s20+$0xFFFFFFA0];
	v54 =	vadd.s32 v21, v35;
	v43 =	vmul.f32 $8.000000000e+00, v43;
	[tilespmem:v57+s14+$0x0] =	vst.idx.msk $0xffff, v59  }
0x73: {  	v49 =	vadd.s32 v25, v35;
	v50 =	vmul.f32 $8.000000000e+00, v46;
	[tilespmem:v58+s14+$0x0] =	vst.idx.msk $0xffff, v63;
	v52 =	vld [tilespmem:s20+$0xFFFFFFE0]  }
0x74: {  	[tilespmem:v39+s14+$0x0] =	vst.idx.msk $0xffff, v43;
	v59 =	vadd.s32 v10, v35;
	v57 =	vld [tilespmem:s20+$0x20];
	v58 =	vmul.f32 $8.000000000e+00, v62  }
0x75: {  	v55 =	vadd.s32 v14, v35;
	[tilespmem:v60+s14+$0x0] =	vst.idx.msk $0xffff, v50;
	v60 =	vld [tilespmem:s20+$0xE0]  }
0x76: {  	v62 =	vadd.s32 v18, v35;
	[tilespmem:v51+s14+$0x0] =	vst.idx.msk $0xffff, v58;
	v56 =	vmul.f32 $8.000000000e+00, v61;
	v61 =	vld [tilespmem:s20+$0xFFFFFF20]  }
0x77: {  	v63 =	vadd.s32 v30, v35;
	v42 =	vmul.f32 $8.000000000e+00, v53;
	[tilespmem:v54+s14+$0x0] =	vst.idx.msk $0xffff, v37;
	v51 =	vld [tilespmem:s20+$0xFFFFFF60]  }
0x78: {  	v50 =	vadd.s32 v2, v35;
	v48 =	vmul.f32 $8.000000000e+00, v52;
	v52 =	vld [tilespmem:s20+$0x60];
	[tilespmem:v49+s14+$0x0] =	vst.idx.msk $0xffff, v56  }
0x79: {  	[tilespmem:v59+s14+$0x0] =	vst.idx.msk $0xffff, v42;
	v38 =	vmul.f32 $8.000000000e+00, v57;
	v56 =	vadd.s32 v6, v35;
	v49 =	vld [tilespmem:s20+$0xA0]  }
0x7a: {  	v58 =	vadd.s32 v22, v35;
	v54 =	vmul.f32 $8.000000000e+00, v60;
	v59 =	vld [tilespmem:s20+$0xFFFFFFB0];
	[tilespmem:v55+s14+$0x0] =	vst.idx.msk $0xffff, v48  }
0x7b: {  	v53 =	vadd.s32 v26, v35;
	[tilespmem:v62+s14+$0x0] =	vst.idx.msk $0xffff, v38;
	v55 =	vld [tilespmem:s20+$0xFFFFFFF0];
	v57 =	vmul.f32 $8.000000000e+00, v61  }
0x7c: {  	[tilespmem:v63+s14+$0x0] =	vst.idx.msk $0xffff, v54;
	v62 =	vmul.f32 $8.000000000e+00, v51  }
0x7d: {  	v63 =	vadd.s32 v11, v35;
	v38 =	vld [tilespmem:s20+$0x30];
	v48 =	vmul.f32 $8.000000000e+00, v52;
	[tilespmem:v50+s14+$0x0] =	vst.idx.msk $0xffff, v57  }
0x7e: {  	v60 =	vadd.s32 v15, v35;
	v39 =	vld [tilespmem:s20+$0xF0];
	[tilespmem:v56+s14+$0x0] =	vst.idx.msk $0xffff, v62;
	v61 =	vmul.f32 $8.000000000e+00, v49  }
0x7f: {  	v47 =	vmul.f32 $8.000000000e+00, v47;
	v50 =	vadd.s32 v19, v35;
	[tilespmem:v58+s14+$0x0] =	vst.idx.msk $0xffff, v48;
	v49 =	vld [tilespmem:s20+$0xFFFFFF30]  }
0x80: {  	v54 =	vmul.f32 $8.000000000e+00, v59;
	v51 =	vmul.f32 $8.000000000e+00, v55;
	v55 =	vld [tilespmem:s20+$0xFFFFFF70];
	[tilespmem:v53+s14+$0x0] =	vst.idx.msk $0xffff, v61;
	v53 =	vadd.s32 v31, v35  }
0x81: {  	[tilespmem:v36+s14+$0x0] =	vst.idx.msk $0xffff, v47;
	v56 =	vadd.s32 v3, v35;
	v57 =	vld [tilespmem:s20+$0x70]  }
0x82: {  	v59 =	vadd.s32 v7, v35;
	[tilespmem:v63+s14+$0x0] =	vst.idx.msk $0xffff, v54;
	v58 =	vmul.f32 $8.000000000e+00, v38;
	v52 =	vld [tilespmem:s20+$0xB0]  }
0x83: {  	v39 =	vmul.f32 $8.000000000e+00, v39;
	[tilespmem:v60+s14+$0x0] =	vst.idx.msk $0xffff, v51;
	v60 =	vadd.s32 v23, v35  }
0x84: {  	[tilespmem:v50+s14+$0x0] =	vst.idx.msk $0xffff, v58;
	v61 =	vmul.f32 $8.000000000e+00, v49  }
0x85: {  	s31 =	sshll.u32 s18, $0x15;
	v63 =	vmul.f32 $8.000000000e+00, v55;
	[tilespmem:v53+s14+$0x0] =	vst.idx.msk $0xffff, v39  }
0x86: {  	s20 =	sor.u32 s4, s31;
	v32 =	vmul.f32 $8.000000000e+00, v57;
	[tilespmem:v56+s14+$0x0] =	vst.idx.msk $0xffff, v61  }
0x87: {  	s20 =	sshrl.u32 s20, $0x3;
	[tilespmem:v59+s14+$0x0] =	vst.idx.msk $0xffff, v63;
	v62 =	vmul.f32 $8.000000000e+00, v52  }
0x88: {  	s22 =	simm.s32 $0x16400;
	s20 =	sadd.s32 s5, s20;
	[tilespmem:v60+s14+$0x0] =	vst.idx.msk $0xffff, v32  }
0x89: {  	s23 =	simm.s32 $0x800;
	s24 =	simm.s32 $0x16608;
	s25 =	sadd.s32 $0x0, s20;
	[tilespmem:v33+s14+$0x0] =	vst.idx.msk $0xffff, v62  }
.LBB2_5:
0x8a: {  	[hbm4b:s25+s1] =	stream.linear.scatter [tilespmem:s22], [sflag:$0x3], $0x200, $0x38;
	[tilespmem:$0x1E600] =	vst v63  }
0x8b: {  	s25 =	smov.u32 s23;
	s22 =	smov.u32 s24;
	p0 =	sne.s32 s23, $0x1F800  }
.Ltmp1:
0x8c: {  	s23 =	sadd.s32 $0x800, s23;
	(pc) =	sbr.rel @p0 .LBB2_5-.Ltmp1, $2  }
0x8d: {  	_ =	sdelay $0x2  }
0x8e: {  	s24 =	sadd.s32 $0x208, s24;
	s25 =	sadd.s32 s25, s20  }
0x8f: {  	[hbm4b:s25+s1] =	stream.linear.scatter [tilespmem:s22], [sflag:$0x3], $0x200, $0x38;
	[tilespmem:$0x1E600] =	vst v63  }
0x90: {  	s20 =	sor.u32 $0x1, s21  }
0x91: {  	_ =	swait.ge [sflag:s15], $0x8000;
	p0 =	sgt.u32 s20, $0x30  }
0x92: {  	[sflag:s15] =	ssyncset.done $0x0;
	s19 =	sadd.s32 @!p0 $0x400, s19  }
0x93: {  	s21 =	simm.s32 @!p0 $0x200;
	s22 =	simm.s32 @!p0 $0x6400;
	[sflag:s15] =	ssyncadd.s32 $0xFFFF8000  }
0x94: {  	[tilespmem:s22], [sflag:$0x1] =	stream.indirect.gather @!p0 [hbm4b:s3+s21], $0x40, s19, s21, $0xb8;
	[tilespmem:$0x1E600] =	vst v63  }
0x95: {  	_ =	swait.ge [sflag:s16], $0x8000  }
0x96: {  	[sflag:s16] =	ssyncset.done $0x0  }
0x97: {  	s31 =	simm.s32 $0xE500;
	[sflag:s16] =	ssyncadd.s32 $0xFFFF8000  }
0x98: {  	v32 =	vld [tilespmem:s31+$0xFFFFFF80]  }
0x99: {  	v34 =	vld [tilespmem:s31+$0x40]  }
0x9a: {  	v36 =	vld [tilespmem:s31+$0xC0]  }
0x9b: {  	v35 =	vimm.s32 $0x0;
	v37 =	vld [tilespmem:s31+$0x0]  }
0x9c: {  	v33 =	vadd.s32 v8, v35;
	v41 =	vld [tilespmem:s31+$0xFFFFFF00]  }
0x9d: {  	v42 =	vadd.s32 v16, v35;
	v39 =	vld [tilespmem:s31+$0xFFFFFFC0]  }
0x9e: {  	v57 =	vadd.s32 v0, v35;
	v45 =	vld [tilespmem:s31+$0xFFFFFF40]  }
0x9f: {  	v40 =	vadd.s32 v28, v35;
	s19 =	simm.s32 $0xE700;
	v43 =	vld [tilespmem:s31+$0x80];
	v32 =	vmul.f32 $8.000000000e+00, v32  }
0xa0: {  	v49 =	vld [tilespmem:s19+$0xFFFFFF80];
	v58 =	vmul.f32 $8.000000000e+00, v37  }
0xa1: {  	v56 =	vadd.s32 v12, v35;
	v62 =	vmul.f32 $8.000000000e+00, v41;
	[tilespmem:v33+s14+$0x0] =	vst.idx.msk $0xffff, v32;
	v32 =	vld [tilespmem:s19+$0x80]  }
0xa2: {  	v36 =	vmul.f32 $8.000000000e+00, v36;
	[tilespmem:v42+s14+$0x0] =	vst.idx.msk $0xffff, v58;
	v58 =	vld [tilespmem:s19+$0x40]  }
0xa3: {  	[tilespmem:v57+s14+$0x0] =	vst.idx.msk $0xffff, v62;
	v57 =	vmul.f32 $8.000000000e+00, v45;
	v45 =	vld [tilespmem:s19+$0x0]  }
0xa4: {  	v38 =	vadd.s32 v20, v35;
	v59 =	vmul.f32 $8.000000000e+00, v39;
	[tilespmem:v40+s14+$0x0] =	vst.idx.msk $0xffff, v36;
	v40 =	vld [tilespmem:s19+$0xC0]  }
0xa5: {  	v54 =	vadd.s32 v4, v35;
	v44 =	vld [tilespmem:s31+$0xFFFFFF90]  }
0xa6: {  	[tilespmem:v56+s14+$0x0] =	vst.idx.msk $0xffff, v59;
	v61 =	vld [tilespmem:s31+$0xD0]  }
0xa7: {  	v48 =	vadd.s32 v24, v35;
	v55 =	vmul.f32 $8.000000000e+00, v34;
	v53 =	vld [tilespmem:s31+$0xFFFFFFD0]  }
0xa8: {  	v60 =	vadd.s32 v9, v35;
	v63 =	vld [tilespmem:s31+$0x10]  }
0xa9: {  	[tilespmem:v38+s14+$0x0] =	vst.idx.msk $0xffff, v55;
	v56 =	vadd.s32 v13, v35;
	v55 =	vld [tilespmem:s31+$0xFFFFFF10]  }
0xaa: {  	v47 =	vadd.s32 v29, v35;
	v43 =	vmul.f32 $8.000000000e+00, v43;
	v38 =	vld [tilespmem:s31+$0x50];
	[tilespmem:v54+s14+$0x0] =	vst.idx.msk $0xffff, v57  }
0xab: {  	v46 =	vadd.s32 v1, v35;
	v42 =	vld [tilespmem:s31+$0xFFFFFF50];
	v52 =	vmul.f32 $8.000000000e+00, v44  }
0xac: {  	v59 =	vadd.s32 v21, v35;
	[tilespmem:v48+s14+$0x0] =	vst.idx.msk $0xffff, v43;
	v54 =	vmul.f32 $8.000000000e+00, v49;
	v49 =	vld [tilespmem:s19+$0xFFFFFF40];
	v34 =	vmul.f32 $8.000000000e+00, v53  }
0xad: {  	v50 =	vadd.s32 v5, v35;
	v39 =	vmul.f32 $8.000000000e+00, v61;
	v33 =	vmul.f32 $8.000000000e+00, v63;
	v63 =	vld [tilespmem:s31+$0x90];
	[tilespmem:v60+s14+$0x0] =	vst.idx.msk $0xffff, v52  }
0xae: {  	v41 =	vmul.f32 $8.000000000e+00, v55;
	[tilespmem:v56+s14+$0x0] =	vst.idx.msk $0xffff, v34;
	v52 =	vld [tilespmem:s19+$0xFFFFFF00];
	v60 =	vadd.s32 v17, v35  }
0xaf: {  	v38 =	vmul.f32 $8.000000000e+00, v38;
	v34 =	vadd.s32 $0x8, v35;
	[tilespmem:v47+s14+$0x0] =	vst.idx.msk $0xffff, v39;
	v47 =	vld [tilespmem:s19+$0xFFFFFFC0];
	v56 =	vadd.s32 v25, v35  }
0xb0: {  	[tilespmem:v46+s14+$0x0] =	vst.idx.msk $0xffff, v41;
	v42 =	vmul.f32 $8.000000000e+00, v42;
	v36 =	vld [tilespmem:s31+$0xFFFFFFA0];
	v61 =	vadd.s32 v8, v34  }
0xb1: {  	[tilespmem:v59+s14+$0x0] =	vst.idx.msk $0xffff, v38;
	v51 =	vld [tilespmem:s31+$0xFFFFFFE0];
	v62 =	vadd.s32 v20, v34  }
0xb2: {  	v46 =	vld [tilespmem:s31+$0xFFFFFF20];
	[tilespmem:v50+s14+$0x0] =	vst.idx.msk $0xffff, v42;
	v50 =	vadd.s32 v28, v34;
	v37 =	vmul.f32 $8.000000000e+00, v63  }
0xb3: {  	v53 =	vadd.s32 v10, v35;
	v42 =	vld [tilespmem:s31+$0xE0];
	[tilespmem:v60+s14+$0x0] =	vst.idx.msk $0xffff, v33  }
0xb4: {  	v58 =	vmul.f32 $8.000000000e+00, v58;
	v55 =	vadd.s32 v2, v35;
	v33 =	vld [tilespmem:s31+$0x60];
	[tilespmem:v56+s14+$0x0] =	vst.idx.msk $0xffff, v37  }
0xb5: {  	v40 =	vmul.f32 $8.000000000e+00, v40;
	v59 =	vadd.s32 v14, v35;
	[tilespmem:v61+s14+$0x0] =	vst.idx.msk $0xffff, v54;
	v63 =	vld [tilespmem:s31+$0x20]  }
0xb6: {  	v36 =	vmul.f32 $8.000000000e+00, v36;
	v61 =	vadd.s32 v22, v35;
	[tilespmem:v62+s14+$0x0] =	vst.idx.msk $0xffff, v58;
	v39 =	vld [tilespmem:s31+$0xA0]  }
0xb7: {  	v38 =	vadd.s32 v30, v35;
	v60 =	vmul.f32 $8.000000000e+00, v46;
	v46 =	vld [tilespmem:s19+$0xFFFFFF90];
	[tilespmem:v50+s14+$0x0] =	vst.idx.msk $0xffff, v40  }
0xb8: {  	v57 =	vadd.s32 v12, v34;
	v62 =	vmul.f32 $8.000000000e+00, v51;
	v54 =	vld [tilespmem:s19+$0x50];
	[tilespmem:v53+s14+$0x0] =	vst.idx.msk $0xffff, v36  }
0xb9: {  	v58 =	vadd.s32 v16, v34;
	[tilespmem:v55+s14+$0x0] =	vst.idx.msk $0xffff, v60;
	v53 =	vld [tilespmem:s31+$0xFFFFFF60];
	v33 =	vmul.f32 $8.000000000e+00, v33  }
0xba: {  	v44 =	vadd.s32 v18, v35;
	[tilespmem:v59+s14+$0x0] =	vst.idx.msk $0xffff, v62;
	v59 =	vmul.f32 $8.000000000e+00, v42;
	v62 =	vmul.f32 $8.000000000e+00, v45;
	v45 =	vld [tilespmem:s19+$0xD0]  }
0xbb: {  	v60 =	vmul.f32 $8.000000000e+00, v47;
	v43 =	vld [tilespmem:s31+$0xFFFFFFB0];
	[tilespmem:v61+s14+$0x0] =	vst.idx.msk $0xffff, v33;
	v61 =	vadd.s32 v26, v35  }
0xbc: {  	v55 =	vadd.s32 v0, v34;
	v42 =	vld [tilespmem:s31+$0xFFFFFFF0];
	[tilespmem:v38+s14+$0x0] =	vst.idx.msk $0xffff, v59  }
0xbd: {  	v51 =	vadd.s32 v6, v35;
	v38 =	vld [tilespmem:s31+$0xFFFFFF30];
	[tilespmem:v57+s14+$0x0] =	vst.idx.msk $0xffff, v60;
	v63 =	vmul.f32 $8.000000000e+00, v63  }
0xbe: {  	v56 =	vadd.s32 v15, v35;
	[tilespmem:v58+s14+$0x0] =	vst.idx.msk $0xffff, v62;
	v48 =	vmul.f32 $8.000000000e+00, v39;
	v57 =	vld [tilespmem:s31+$0xF0]  }
0xbf: {  	v41 =	vmul.f32 $8.000000000e+00, v49;
	v50 =	vmul.f32 $8.000000000e+00, v52;
	v52 =	vadd.s32 v9, v34;
	v40 =	vld [tilespmem:s19+$0x10];
	[tilespmem:v44+s14+$0x0] =	vst.idx.msk $0xffff, v63  }
0xc0: {  	v49 =	vadd.s32 v19, v35;
	v58 =	vadd.s32 v11, v35;
	v60 =	vmul.f32 $8.000000000e+00, v53;
	v59 =	vld [tilespmem:s31+$0x30];
	[tilespmem:v61+s14+$0x0] =	vst.idx.msk $0xffff, v48  }
0xc1: {  	v36 =	vadd.s32 v27, v35;
	[tilespmem:v55+s14+$0x0] =	vst.idx.msk $0xffff, v50;
	v50 =	vadd.s32 v4, v34;
	v62 =	vmul.f32 $8.000000000e+00, v42;
	v47 =	vld [tilespmem:s31+$0xB0]  }
0xc2: {  	v39 =	vadd.s32 v23, v35;
	[tilespmem:v51+s14+$0x0] =	vst.idx.msk $0xffff, v60;
	v61 =	vmul.f32 $8.000000000e+00, v46;
	v46 =	vld [tilespmem:s19+$0xFFFFFFD0];
	v48 =	vadd.s32 v29, v34  }
0xc3: {  	v33 =	vadd.s32 v27, v34;
	v37 =	vmul.f32 $8.000000000e+00, v54;
	v63 =	vmul.f32 $8.000000000e+00, v43;
	v44 =	vld [tilespmem:s31+$0xFFFFFF70];
	[tilespmem:v56+s14+$0x0] =	vst.idx.msk $0xffff, v62  }
0xc4: {  	v53 =	vmul.f32 $8.000000000e+00, v45;
	v42 =	vadd.s32 v7, v35;
	v43 =	vld [tilespmem:s31+$0x70];
	[tilespmem:v52+s14+$0x0] =	vst.idx.msk $0xffff, v61;
	v52 =	vadd.s32 v31, v35  }
0xc5: {  	s21 =	simm.s32 $0x8;
	s22 =	simm.s32 $0xE900;
	v45 =	vld [tilespmem:s19+$0xFFFFFF10];
	v51 =	vadd.s32 v3, v35;
	[tilespmem:v58+s14+$0x0] =	vst.idx.msk $0xffff, v63;
	v54 =	vmul.f32 $8.000000000e+00, v57;
	v55 =	vmul.f32 $8.000000000e+00, v59;
	v35 =	vmovc v34  }
.LBB2_7:
0xc6: {  	s21 =	sadd.s32 $0x8, s21;
	[tilespmem:v50+s14+$0x0] =	vst.idx.msk $0xffff, v41;
	v41 =	vmul.f32 $8.000000000e+00, v32;
	v32 =	vld [tilespmem:s22+$0x80];
	v34 =	vadd.s32 $0x8, v34;
	v47 =	vmul.f32 $8.000000000e+00, v47  }
0xc7: {  	v56 =	vadd.s32 v13, v35;
	v40 =	vmul.f32 $8.000000000e+00, v40;
	p0 =	slt.u32 s21, $0x1F8;
	v50 =	vld [tilespmem:s19+$0xFFFFFFA0];
	v46 =	vmul.f32 $8.000000000e+00, v46;
	[tilespmem:v48+s14+$0x0] =	vst.idx.msk $0xffff, v53  }
0xc8: {  	v38 =	vmul.f32 $8.000000000e+00, v38;
	v48 =	vadd.s32 v8, v34;
	v53 =	vld [tilespmem:s22+$0x40];
	v44 =	vmul.f32 $8.000000000e+00, v44;
	[tilespmem:v49+s14+$0x0] =	vst.idx.msk $0xffff, v55  }
0xc9: {  	v57 =	vadd.s32 v1, v35;
	v49 =	vadd.s32 v0, v34;
	v55 =	vld [tilespmem:s22+$0x0];
	v43 =	vmul.f32 $8.000000000e+00, v43;
	[tilespmem:v52+s14+$0x0] =	vst.idx.msk $0xffff, v54  }
0xca: {  	v52 =	vadd.s32 v27, v34;
	v54 =	vld [tilespmem:s22+$0xC0];
	[tilespmem:v51+s14+$0x0] =	vst.idx.msk $0xffff, v38  }
0xcb: {  	v38 =	vmul.f32 $8.000000000e+00, v45;
	v51 =	vadd.s32 v24, v35;
	v45 =	vld [tilespmem:s19+$0xFFFFFF50];
	[tilespmem:v36+s14+$0x0] =	vst.idx.msk $0xffff, v47;
	v36 =	vmovc v33;
	v33 =	vmov v52  }
0xcc: {  	v47 =	vld [tilespmem:s22+$0xFFFFFF80];
	[tilespmem:v56+s14+$0x0] =	vst.idx.msk $0xffff, v46;
	v46 =	vadd.s32 v21, v35  }
0xcd: {  	v52 =	vadd.s32 v5, v35;
	v50 =	vmul.f32 $8.000000000e+00, v50;
	v56 =	vld [tilespmem:s19+$0xFFFFFFE0];
	[tilespmem:v42+s14+$0x0] =	vst.idx.msk $0xffff, v44  }
0xce: {  	v42 =	vld [tilespmem:s22+$0xFFFFFF00];
	[tilespmem:v57+s14+$0x0] =	vst.idx.msk $0xffff, v38;
	v38 =	vadd.s32 v17, v35  }
0xcf: {  	v44 =	vld [tilespmem:s19+$0xFFFFFF20];
	[tilespmem:v39+s14+$0x0] =	vst.idx.msk $0xffff, v43  }
0xd0: {  	v39 =	vld [tilespmem:s22+$0xFFFFFFC0];
	v43 =	vmul.f32 $8.000000000e+00, v45;
	v45 =	vadd.s32 v10, v35;
	[tilespmem:v51+s14+$0x0] =	vst.idx.msk $0xffff, v41  }
0xd1: {  	v41 =	vmul.f32 $8.000000000e+00, v47;
	v47 =	vadd.s32 v20, v34;
	[tilespmem:v46+s14+$0x0] =	vst.idx.msk $0xffff, v37;
	v37 =	vld [tilespmem:s19+$0x90]  }
0xd2: {  	v51 =	vadd.s32 v2, v35;
	v46 =	vadd.s32 v28, v34;
	[tilespmem:v52+s14+$0x0] =	vst.idx.msk $0xffff, v43;
	v43 =	vld [tilespmem:s19+$0xE0]  }
0xd3: {  	[tilespmem:v38+s14+$0x0] =	vst.idx.msk $0xffff, v40;
	v38 =	vld [tilespmem:s19+$0x60];
	v40 =	vadd.s32 v25, v35  }
0xd4: {  	v52 =	vld [tilespmem:s22+$0xFFFFFF40];
	[tilespmem:v48+s14+$0x0] =	vst.idx.msk $0xffff, v41;
	v41 =	vmul.f32 $8.000000000e+00, v53;
	v44 =	vmul.f32 $8.000000000e+00, v44;
	v48 =	vadd.s32 v14, v35  }
0xd5: {  	v54 =	vmul.f32 $8.000000000e+00, v54;
	v53 =	vld [tilespmem:s22+$0xFFFFFF90];
	[tilespmem:v45+s14+$0x0] =	vst.idx.msk $0xffff, v50;
	v45 =	vadd.s32 v22, v35  }
0xd6: {  	v39 =	vmul.f32 $8.000000000e+00, v39;
	v50 =	vadd.s32 v30, v35;
	[tilespmem:v47+s14+$0x0] =	vst.idx.msk $0xffff, v41;
	v47 =	vld [tilespmem:s19+$0xFFFFFFB0];
	v37 =	vmul.f32 $8.000000000e+00, v37  }
0xd7: {  	v55 =	vmul.f32 $8.000000000e+00, v55;
	v41 =	vmul.f32 $8.000000000e+00, v56;
	[tilespmem:v51+s14+$0x0] =	vst.idx.msk $0xffff, v44;
	v44 =	vld [tilespmem:s19+$0x20]  }
0xd8: {  	v51 =	vadd.s32 v12, v34;
	v56 =	vld [tilespmem:s19+$0xFFFFFF60];
	v38 =	vmul.f32 $8.000000000e+00, v38;
	[tilespmem:v40+s14+$0x0] =	vst.idx.msk $0xffff, v37  }
0xd9: {  	v43 =	vmul.f32 $8.000000000e+00, v43;
	v37 =	vadd.s32 v16, v34;
	[tilespmem:v48+s14+$0x0] =	vst.idx.msk $0xffff, v41;
	v40 =	vld [tilespmem:s19+$0xA0]  }
0xda: {  	v57 =	vadd.s32 v18, v35;
	v48 =	vld [tilespmem:s19+$0xFFFFFFF0];
	[tilespmem:v45+s14+$0x0] =	vst.idx.msk $0xffff, v38  }
0xdb: {  	v41 =	vmul.f32 $8.000000000e+00, v52;
	v52 =	vadd.s32 v26, v35;
	v45 =	vld [tilespmem:s22+$0x50];
	[tilespmem:v50+s14+$0x0] =	vst.idx.msk $0xffff, v43  }
0xdc: {  	[tilespmem:v46+s14+$0x0] =	vst.idx.msk $0xffff, v54;
	v38 =	vld [tilespmem:s19+$0xFFFFFF30]  }
0xdd: {  	v44 =	vmul.f32 $8.000000000e+00, v44;
	[tilespmem:v51+s14+$0x0] =	vst.idx.msk $0xffff, v39;
	v43 =	vld [tilespmem:s22+$0xD0];
	v39 =	vmul.f32 $8.000000000e+00, v56;
	v51 =	vadd.s32 v6, v35  }
0xde: {  	v53 =	vmul.f32 $8.000000000e+00, v53;
	v54 =	vadd.s32 v15, v35;
	[tilespmem:v37+s14+$0x0] =	vst.idx.msk $0xffff, v55;
	v37 =	vmul.f32 $8.000000000e+00, v40;
	v56 =	vld [tilespmem:s19+$0xF0]  }
0xdf: {  	v42 =	vmul.f32 $8.000000000e+00, v42;
	v55 =	vadd.s32 v9, v34;
	v40 =	vld [tilespmem:s22+$0x10];
	[tilespmem:v57+s14+$0x0] =	vst.idx.msk $0xffff, v44  }
0xe0: {  	v58 =	vadd.s32 v11, v35;
	v57 =	vmul.f32 $8.000000000e+00, v47;
	v59 =	vld [tilespmem:s19+$0x30];
	[tilespmem:v52+s14+$0x0] =	vst.idx.msk $0xffff, v37  }
.Ltmp2:
0xe1: {  	v50 =	vadd.s32 v4, v34;
	v37 =	vmul.f32 $8.000000000e+00, v45;
	[tilespmem:v49+s14+$0x0] =	vst.idx.msk $0xffff, v42;
	v42 =	vmul.f32 $8.000000000e+00, v48;
	v47 =	vld [tilespmem:s19+$0xB0];
	(pc) =	sbr.rel @p0 .LBB2_7-.Ltmp2, $4  }
0xe2: {  	v48 =	vadd.s32 v29, v34;
	v46 =	vld [tilespmem:s22+$0xFFFFFFD0];
	[tilespmem:v51+s14+$0x0] =	vst.idx.msk $0xffff, v39  }
0xe3: {  	v49 =	vadd.s32 v19, v35;
	v39 =	vadd.s32 v23, v35;
	v44 =	vld [tilespmem:s19+$0xFFFFFF70];
	[tilespmem:v54+s14+$0x0] =	vst.idx.msk $0xffff, v42  }
0xe4: {  	v52 =	vadd.s32 v31, v35;
	v42 =	vadd.s32 v7, v35;
	[tilespmem:v55+s14+$0x0] =	vst.idx.msk $0xffff, v53;
	v53 =	vmul.f32 $8.000000000e+00, v43;
	v43 =	vld [tilespmem:s19+$0x70];
	s19 =	smov.u32 s22  }
0xe5: {  	v51 =	vadd.s32 v3, v35;
	v54 =	vmul.f32 $8.000000000e+00, v56;
	v35 =	vmovc v34;
	s22 =	sadd.s32 $0x200, s22;
	v45 =	vld [tilespmem:s19+$0xFFFFFF10];
	[tilespmem:v58+s14+$0x0] =	vst.idx.msk $0xffff, v57;
	v55 =	vmul.f32 $8.000000000e+00, v59  }
0xe6: {  	_ =	sdelay $0x3  }
0xe7: {  	v34 =	vadd.s32 v24, v35;
	[tilespmem:v50+s14+$0x0] =	vst.idx.msk $0xffff, v41  }
0xe8: {  	[tilespmem:v48+s14+$0x0] =	vst.idx.msk $0xffff, v53  }
0xe9: {  	v57 =	vadd.s32 v13, v35;
	v38 =	vmul.f32 $8.000000000e+00, v38;
	[tilespmem:v49+s14+$0x0] =	vst.idx.msk $0xffff, v55  }
0xea: {  	v32 =	vmul.f32 $8.000000000e+00, v32;
	v58 =	vadd.s32 v17, v35;
	[tilespmem:v52+s14+$0x0] =	vst.idx.msk $0xffff, v54  }
0xeb: {  	v62 =	vld [tilespmem:s19+$0xFFFFFF50];
	[tilespmem:v51+s14+$0x0] =	vst.idx.msk $0xffff, v38;
	v44 =	vmul.f32 $8.000000000e+00, v44  }
0xec: {  	v60 =	vadd.s32 v1, v35;
	v59 =	vmul.f32 $8.000000000e+00, v46;
	[tilespmem:v34+s14+$0x0] =	vst.idx.msk $0xffff, v32  }
0xed: {  	v63 =	vmul.f32 $8.000000000e+00, v40;
	v51 =	vadd.s32 v5, v35;
	[tilespmem:v42+s14+$0x0] =	vst.idx.msk $0xffff, v44;
	v61 =	vld [tilespmem:s19+$0x90]  }
0xee: {  	v53 =	vld [tilespmem:s19+$0xFFFFFFA0];
	v54 =	vadd.s32 v21, v35;
	v43 =	vmul.f32 $8.000000000e+00, v43;
	[tilespmem:v57+s14+$0x0] =	vst.idx.msk $0xffff, v59  }
0xef: {  	v49 =	vadd.s32 v25, v35;
	v50 =	vmul.f32 $8.000000000e+00, v45;
	[tilespmem:v58+s14+$0x0] =	vst.idx.msk $0xffff, v63;
	v52 =	vld [tilespmem:s19+$0xFFFFFFE0]  }
0xf0: {  	[tilespmem:v39+s14+$0x0] =	vst.idx.msk $0xffff, v43;
	v59 =	vadd.s32 v10, v35;
	v57 =	vld [tilespmem:s19+$0x20];
	v58 =	vmul.f32 $8.000000000e+00, v62  }
0xf1: {  	v55 =	vadd.s32 v14, v35;
	[tilespmem:v60+s14+$0x0] =	vst.idx.msk $0xffff, v50;
	v60 =	vld [tilespmem:s19+$0xE0]  }
0xf2: {  	v62 =	vadd.s32 v18, v35;
	[tilespmem:v51+s14+$0x0] =	vst.idx.msk $0xffff, v58;
	v56 =	vmul.f32 $8.000000000e+00, v61;
	v61 =	vld [tilespmem:s19+$0xFFFFFF20]  }
0xf3: {  	v63 =	vadd.s32 v30, v35;
	v42 =	vmul.f32 $8.000000000e+00, v53;
	[tilespmem:v54+s14+$0x0] =	vst.idx.msk $0xffff, v37;
	v51 =	vld [tilespmem:s19+$0xFFFFFF60]  }
0xf4: {  	v50 =	vadd.s32 v2, v35;
	v48 =	vmul.f32 $8.000000000e+00, v52;
	v52 =	vld [tilespmem:s19+$0x60];
	[tilespmem:v49+s14+$0x0] =	vst.idx.msk $0xffff, v56  }
0xf5: {  	[tilespmem:v59+s14+$0x0] =	vst.idx.msk $0xffff, v42;
	v38 =	vmul.f32 $8.000000000e+00, v57;
	v56 =	vadd.s32 v6, v35;
	v49 =	vld [tilespmem:s19+$0xA0]  }
0xf6: {  	v58 =	vadd.s32 v22, v35;
	v54 =	vmul.f32 $8.000000000e+00, v60;
	v59 =	vld [tilespmem:s19+$0xFFFFFFB0];
	[tilespmem:v55+s14+$0x0] =	vst.idx.msk $0xffff, v48  }
0xf7: {  	v53 =	vadd.s32 v26, v35;
	[tilespmem:v62+s14+$0x0] =	vst.idx.msk $0xffff, v38;
	v55 =	vld [tilespmem:s19+$0xFFFFFFF0];
	v57 =	vmul.f32 $8.000000000e+00, v61  }
0xf8: {  	[tilespmem:v63+s14+$0x0] =	vst.idx.msk $0xffff, v54;
	v62 =	vmul.f32 $8.000000000e+00, v51  }
0xf9: {  	v63 =	vadd.s32 v11, v35;
	v38 =	vld [tilespmem:s19+$0x30];
	v48 =	vmul.f32 $8.000000000e+00, v52;
	[tilespmem:v50+s14+$0x0] =	vst.idx.msk $0xffff, v57  }
0xfa: {  	v60 =	vadd.s32 v15, v35;
	v39 =	vld [tilespmem:s19+$0xF0];
	[tilespmem:v56+s14+$0x0] =	vst.idx.msk $0xffff, v62;
	v61 =	vmul.f32 $8.000000000e+00, v49  }
0xfb: {  	v47 =	vmul.f32 $8.000000000e+00, v47;
	v50 =	vadd.s32 v19, v35;
	[tilespmem:v58+s14+$0x0] =	vst.idx.msk $0xffff, v48;
	v49 =	vld [tilespmem:s19+$0xFFFFFF30]  }
0xfc: {  	v54 =	vmul.f32 $8.000000000e+00, v59;
	v51 =	vmul.f32 $8.000000000e+00, v55;
	v55 =	vld [tilespmem:s19+$0xFFFFFF70];
	[tilespmem:v53+s14+$0x0] =	vst.idx.msk $0xffff, v61;
	v53 =	vadd.s32 v31, v35  }
0xfd: {  	[tilespmem:v36+s14+$0x0] =	vst.idx.msk $0xffff, v47;
	v56 =	vadd.s32 v3, v35;
	v57 =	vld [tilespmem:s19+$0x70]  }
0xfe: {  	v59 =	vadd.s32 v7, v35;
	[tilespmem:v63+s14+$0x0] =	vst.idx.msk $0xffff, v54;
	v58 =	vmul.f32 $8.000000000e+00, v38;
	v52 =	vld [tilespmem:s19+$0xB0]  }
0xff: {  	v39 =	vmul.f32 $8.000000000e+00, v39;
	[tilespmem:v60+s14+$0x0] =	vst.idx.msk $0xffff, v51;
	v60 =	vadd.s32 v23, v35  }
0x100: {  	[tilespmem:v50+s14+$0x0] =	vst.idx.msk $0xffff, v58;
	v61 =	vmul.f32 $8.000000000e+00, v49  }
0x101: {  	s31 =	sshll.u32 s20, $0x14;
	v63 =	vmul.f32 $8.000000000e+00, v55;
	[tilespmem:v53+s14+$0x0] =	vst.idx.msk $0xffff, v39  }
0x102: {  	s19 =	sor.u32 s4, s31;
	v32 =	vmul.f32 $8.000000000e+00, v57;
	[tilespmem:v56+s14+$0x0] =	vst.idx.msk $0xffff, v61  }
0x103: {  	s19 =	sshrl.u32 s19, $0x3;
	[tilespmem:v59+s14+$0x0] =	vst.idx.msk $0xffff, v63;
	v62 =	vmul.f32 $8.000000000e+00, v52  }
0x104: {  	s20 =	simm.s32 $0x16400;
	s19 =	sadd.s32 s5, s19;
	[tilespmem:v60+s14+$0x0] =	vst.idx.msk $0xffff, v32  }
0x105: {  	s21 =	simm.s32 $0x800;
	s22 =	simm.s32 $0x16608;
	s23 =	sadd.s32 $0x0, s19;
	[tilespmem:v33+s14+$0x0] =	vst.idx.msk $0xffff, v62  }
.LBB2_9:
0x106: {  	[hbm4b:s23+s1] =	stream.linear.scatter [tilespmem:s20], [sflag:$0x3], $0x200, $0x38;
	[tilespmem:$0x1E600] =	vst v63  }
0x107: {  	s23 =	smov.u32 s21;
	s20 =	smov.u32 s22;
	p0 =	sne.s32 s21, $0x1F800  }
.Ltmp3:
0x108: {  	s21 =	sadd.s32 $0x800, s21;
	(pc) =	sbr.rel @p0 .LBB2_9-.Ltmp3, $2  }
0x109: {  	_ =	sdelay $0x2  }
0x10a: {  	s22 =	sadd.s32 $0x208, s22;
	s23 =	sadd.s32 s23, s19  }
0x10b: {  	s18 =	sadd.s32 $0x1, s18  }
0x10c: {  	p0 =	sne.s32 s18, $0x19  }
.Ltmp4:
0x10d: {  	_ = 	snop;
	(pc) =	sbr.rel @p0 .LBB2_2-.Ltmp4, $2  }
0x10e: {  	_ =	sdelay $0x2  }
0x10f: {  	[hbm4b:s23+s1] =	stream.linear.scatter [tilespmem:s20], [sflag:$0x3], $0x200, $0x38;
	[tilespmem:$0x1E600] =	vst v63  }
0x110: {  	s17 =	sadd.s32 $0x1, s17  }
0x111: {  	p0 =	sne.s32 s17, s7  }
.Ltmp5:
0x112: {  	_ = 	snop;
	(pc) =	sbr.rel @p0 .LBB2_1-.Ltmp5, $4  }
0x113: {  	_ = 	snop  }
0x114: {  	_ =	swait.ge [sflag:s16], $0x8000  }
0x115: {  	[sflag:s16] =	ssyncset.done $0x0  }
0x116: {  	[sflag:s16] =	ssyncadd.s32 $0xFFFF8000  }
0x117: {  	_ =	sfence.sel $0x180000  }
0x118: {  	[bflag:$0x0] =	sbarrier.arrive $0xFFFF  }
0x119: {  	p0 =	sne.s32 s2, $0x0;
	_ =	strace $0x90000047  }
0x11a: {  	s0 =	sadd.s32 @!p0 $0x100000, s0;
	[bflag:$0x2] =	sbarrier.arrive $0xFFFF  }
0x11b: {  	[sflag:s0] =	ssyncadd.tile.s32 @!p0 $0x1;
	_ =	shalt  }
.Lfunc_end2:
_tile_overlayer_lowered:
.L_overlay_start_2:
0x11c: {  	(tag) =	ssettag $0x2  }
0x11d: {  	s0 =	rddreg [dreg:$0x0];
	s2 =	stileid.u32  }
0x11e: {  	s1 =	rddreg [dreg:$0x1];
	p0 =	sne.s32 s2, $0x0  }
0x11f: {  	s3 =	rddreg [dreg:$0x2];
	[bflag:$0x3] =	sbarrier.arrive $0xFFFF;
	s2 =	simm.s32 @!p0 $0x1C04  }
0x120: {  	[timem:s3], [sflag:s2] =	dma.local @!p0 [hbm:s0], s1  }
0x121: {  	s0 =	simm.s32 @!p0 $0x4  }
0x122: {  	_ =	swait.ge @!p0 [sflag:s0], s1  }
0x123: {  	s1 =	ssub.s32 @!p0 $0x0, s1;
	[sflag:s0] =	ssyncset.done @!p0 $0x0  }
0x124: {  	[sflag:s0] =	ssyncadd.s32 @!p0 s1  }
0x125: {  	[bflag:$0x3] =	sbarrier.arrive $0xFFFF  }
0x126: {  	_ =	shalt  }

</sc_bundles>
